<compile_context>
chip_gen: v7x
topology: tpu7x:2x2x1
jax: 0.10.2.dev20260603
libtpu: 0.0.44.dev20260713+nightly
codegen_flags: <defaults>
</compile_context>

<pallas_src>
import functools

import jax
import jax.numpy as jnp
from jax import lax
from jax.experimental import pallas as pl
from jax.experimental.pallas import tpu as pltpu
from jax.experimental.pallas import tpu_sc as plsc

FREEZE_RATIO = 0.9

R = 16384
D = 1024
T = int(R * FREEZE_RATIO)
NC = 2
NS = 16
NW = NC * NS
LANES = 16
GRP = 8

GRP_LO = (T // GRP) * GRP
NZG = T - GRP_LO

NGROUPS = GRP_LO // GRP
GPW = NGROUPS // NW
ZPW = GPW * GRP
NEXTRA = NGROUPS - GPW * NW
EXTRA_LO = ZPW * NW

CH = 32
NFULL = ZPW // CH
ZTAIL = ZPW - NFULL * CH

COPY_LO = GRP_LO + GRP
NGROUPS_C = (R - COPY_LO) // GRP
GPW_C = NGROUPS_C // NW
NEXTRA_C = NGROUPS_C - GPW_C * NW
BASE_ROWS = GPW_C * GRP


_mesh = plsc.VectorSubcoreMesh(core_axis_name="c", subcore_axis_name="s")


@functools.partial(
    pl.kernel,
    mesh=_mesh,
    out_type=[
        jax.ShapeDtypeStruct((R, D), jnp.float32),
        jax.ShapeDtypeStruct((LANES,), jnp.int32),
    ],
    scratch_types=[
        pltpu.VMEM((CH, D), jnp.float32),
        pltpu.VMEM((BASE_ROWS + GRP, D), jnp.float32),
        pltpu.VMEM((GRP, D), jnp.float32),
        pltpu.VMEM((LANES,), jnp.int32),
        pltpu.SemaphoreType.DMA,
        pltpu.SemaphoreType.DMA,
        pltpu.SemaphoreType.DMA,
    ],
)
def _freeze_sc(tokens_hbm, out_hbm, cnt_hbm,
               zeros_v, buf_c, buf_m, cnt_v, sem_z, sem_i, sem_o):
    wid = lax.axis_index("s") * NC + lax.axis_index("c")

    copy_a = COPY_LO + (wid * GPW_C + jnp.minimum(wid, NEXTRA_C)) * GRP
    in_a = pltpu.async_copy(tokens_hbm.at[pl.ds(copy_a, BASE_ROWS)],
                            buf_c.at[pl.ds(0, BASE_ROWS)], sem_i)

    copy_b = copy_a + BASE_ROWS

    @pl.when(wid < NEXTRA_C)
    def _fire_in_b():
        pltpu.async_copy(tokens_hbm.at[pl.ds(copy_b, GRP)],
                         buf_c.at[pl.ds(BASE_ROWS, GRP)], sem_i)

    @pl.when(wid == NW - 1)
    def _fire_in_m():
        pltpu.async_copy(tokens_hbm.at[pl.ds(GRP_LO, GRP)], buf_m, sem_i)

    def fill_row(r, carry):
        for c in range(D // LANES):
            zeros_v[r, pl.ds(c * LANES, LANES)] = jnp.zeros(
                (LANES,), jnp.float32)
        return carry

    lax.fori_loop(0, CH, fill_row, 0)

    zbase = wid * ZPW
    z_handles = []
    for k in range(NFULL):
        z_handles.append(pltpu.async_copy(
            zeros_v, out_hbm.at[pl.ds(zbase + k * CH, CH)], sem_z))
    z_handles.append(pltpu.async_copy(
        zeros_v.at[pl.ds(0, ZTAIL)],
        out_hbm.at[pl.ds(zbase + NFULL * CH, ZTAIL)], sem_z))

    extra_lo = EXTRA_LO + wid * GRP

    @pl.when(wid < NEXTRA)
    def _fire_extra_zero():
        pltpu.async_copy(zeros_v.at[pl.ds(0, GRP)],
                         out_hbm.at[pl.ds(extra_lo, GRP)], sem_z).wait()

    in_a.wait()
    out_a = pltpu.async_copy(buf_c.at[pl.ds(0, BASE_ROWS)],
                             out_hbm.at[pl.ds(copy_a, BASE_ROWS)], sem_o)

    @pl.when(wid < NEXTRA_C)
    def _flush_b():
        pltpu.make_async_copy(tokens_hbm.at[pl.ds(copy_b, GRP)],
                              buf_c.at[pl.ds(BASE_ROWS, GRP)], sem_i).wait()
        pltpu.async_copy(buf_c.at[pl.ds(BASE_ROWS, GRP)],
                         out_hbm.at[pl.ds(copy_b, GRP)], sem_o).wait()

    @pl.when(wid == NW - 1)
    def _flush_m():
        pltpu.make_async_copy(tokens_hbm.at[pl.ds(GRP_LO, GRP)],
                              buf_m, sem_i).wait()

        def zero_col(c, carry):
            for r in range(NZG):
                buf_m[r, pl.ds(c * LANES, LANES)] = jnp.zeros(
                    (LANES,), jnp.float32)
            return carry

        lax.fori_loop(0, D // LANES, zero_col, 0)
        pltpu.async_copy(buf_m, out_hbm.at[pl.ds(GRP_LO, GRP)],
                         sem_o).wait()

    @pl.when(wid == 0)
    def _write_count():
        cnt_v[...] = jnp.full((LANES,), T, jnp.int32)
        pltpu.sync_copy(cnt_v, cnt_hbm)

    for h in z_handles:
        h.wait()
    out_a.wait()


@jax.jit
def kernel(tokens):
    b, s, d = tokens.shape
    flat = tokens.reshape(b * s, d)
    out_flat, cnt = _freeze_sc(flat)
    return out_flat.reshape(b, s, d), cnt[0]

# --- scband reference (transcript-rebuilt; emitter-appended) ---
"""Pipeline reference for scband-advanced-eitlossless-5927054868675 (READ-ONLY COPY).

The authoritative reference and input builder live on the scoring server;
editing this copy changes nothing except your own understanding.
"""

import jax, jax.numpy as jnp
import numpy as np

FREEZE_RATIO = 0.9


def setup_inputs(seed: int = 0) -> dict:
    key = jax.random.key(seed)
    tokens = jax.random.normal(key, (4, 4096, 1024), dtype=jnp.float32)
    return {"tokens": tokens}


def reference(tokens):
    # AdvancedEITLossless.freeze with strategy='prefix', ratio=0.9
    batch_size, seq_len, d_model = tokens.shape
    total = batch_size * seq_len
    target = int(total * FREEZE_RATIO)
    # prefix freeze mask over the flattened (batch*seq) positions
    mask_flat = jnp.arange(total) < target
    freeze_mask = mask_flat.reshape(batch_size, seq_len)
    # frozen_tokens = tokens.clone(); frozen_tokens[freeze_mask] = 0.0
    # equivalent to a scatter-overwrite of zeros at masked rows
    frozen_tokens = jnp.where(freeze_mask[:, :, None], jnp.zeros((), dtype=tokens.dtype), tokens)
    frozen_count = jnp.sum(freeze_mask.astype(jnp.int32))
    return (frozen_tokens, frozen_count)

if __name__ == "__main__":
    import jax
    _d = setup_inputs()
    print(jax.jit(kernel)(*tuple(_d.values())))

</pallas_src>

<mosaic_0001>
#map = affine_map<(d0, d1) -> (0, 0)>
#map1 = affine_map<(d0, d1) -> (0)>
module attributes {stable_mosaic.version = 14 : i64} {
  func.func @_freeze_sc(%arg0: i32, %arg1: i32, %arg2: memref<16384x1024xf32, #tpu.memory_space<hbm>>, %arg3: memref<16384x1024xf32, #tpu.memory_space<hbm>>, %arg4: memref<16xi32, #tpu.memory_space<hbm>>, %arg5: memref<32x1024xf32, #tpu.memory_space<vmem>>, %arg6: memref<56x1024xf32, #tpu.memory_space<vmem>>, %arg7: memref<8x1024xf32, #tpu.memory_space<vmem>>, %arg8: memref<16xi32, #tpu.memory_space<vmem>>, %arg9: memref<!tpu.dma_semaphore, #tpu.memory_space<semaphore_mem>>, %arg10: memref<!tpu.dma_semaphore, #tpu.memory_space<semaphore_mem>>, %arg11: memref<!tpu.dma_semaphore, #tpu.memory_space<semaphore_mem>>) attributes {dimension_semantics = [#tpu.dimension_semantics<core_parallel>, #tpu.dimension_semantics<subcore_parallel>], iteration_bounds = array<i64: 2, 16>, scalar_prefetch = 0 : i64, scratch_operands = 7 : i64, tpu.core_type = #tpu.core_type<sc_vector_subcore>, window_params = [{transform_indices = #map}, {transform_indices = #map}, {transform_indices = #map1}]} {
    %mul3A = arith.constant 2 : i32
    %mul3A_0 = arith.muli %arg1, %mul3A : i32
    %add3A = arith.addi %mul3A_0, %arg0 : i32
    %mul3A_1 = arith.constant 6 : i32
    %mul3A_2 = arith.muli %add3A, %mul3A_1 : i32
    %min3A = arith.constant 12 : i32
    %min3A_3 = arith.minsi %add3A, %min3A : i32
    %add3A_4 = arith.addi %mul3A_2, %min3A_3 : i32
    %mul3A_5 = arith.constant 8 : i32
    %mul3A_6 = arith.muli %add3A_4, %mul3A_5 : i32
    %add3A_7 = arith.constant 14752 : i32
    %add3A_8 = arith.addi %add3A_7, %mul3A_6 : i32
    %dma_start3A = arith.constant 0 : i32
    %dma_start3A_9 = arith.constant 0 : i32
    %dma_start3A_10 = tpu.memref_slice %arg6[%dma_start3A, %dma_start3A_9] : memref<56x1024xf32, #tpu.memory_space<vmem>> -> memref<48x1024xf32, #tpu.memory_space<vmem>>
    %dma_start3A_11 = arith.constant 0 : i32
    %dma_start3A_12 = tpu.memref_slice %arg2[%add3A_8, %dma_start3A_11] : memref<16384x1024xf32, #tpu.memory_space<hbm>> -> memref<48x1024xf32, #tpu.memory_space<hbm>>
    %dma_start3A_13 = arith.constant 0 : i32
    %dma_start3A_14 = arith.constant 0 : i32
    %dma_start3A_15 = tpu.memref_slice %arg6[%dma_start3A_13, %dma_start3A_14] : memref<56x1024xf32, #tpu.memory_space<vmem>> -> memref<48x1024xf32, #tpu.memory_space<vmem>>
    %dma_start3A_16 = arith.constant 0 : i32
    %dma_start3A_17 = tpu.memref_slice %arg2[%add3A_8, %dma_start3A_16] : memref<16384x1024xf32, #tpu.memory_space<hbm>> -> memref<48x1024xf32, #tpu.memory_space<hbm>>
    tpu.enqueue_dma source(%dma_start3A_17 : memref<48x1024xf32, #tpu.memory_space<hbm>>) target(%dma_start3A_15 : memref<48x1024xf32, #tpu.memory_space<vmem>>) target_semaphore(%arg10 : memref<!tpu.dma_semaphore, #tpu.memory_space<semaphore_mem>>)
    %add3A_18 = arith.constant 48 : i32
    %add3A_19 = arith.addi %add3A_8, %add3A_18 : i32
    %lt3A = arith.constant 12 : i32
    %lt3A_20 = arith.cmpi slt, %add3A, %lt3A : i32
    %convert_element_type3A = arith.extui %lt3A_20 : i1 to i32
    %cond3A = arith.constant 0 : i32
    %cond3A_21 = arith.cmpi ne, %convert_element_type3A, %cond3A : i32
    scf.if %cond3A_21 {
      %dma_start3A_248 = arith.constant 48 : i32
      %dma_start3A_249 = arith.constant 0 : i32
      %dma_start3A_250 = tpu.memref_slice %arg6[%dma_start3A_248, %dma_start3A_249] : memref<56x1024xf32, #tpu.memory_space<vmem>> -> memref<8x1024xf32, #tpu.memory_space<vmem>>
      %dma_start3A_251 = arith.constant 0 : i32
      %dma_start3A_252 = tpu.memref_slice %arg2[%add3A_19, %dma_start3A_251] : memref<16384x1024xf32, #tpu.memory_space<hbm>> -> memref<8x1024xf32, #tpu.memory_space<hbm>>
      %dma_start3A_253 = arith.constant 48 : i32
      %dma_start3A_254 = arith.constant 0 : i32
      %dma_start3A_255 = tpu.memref_slice %arg6[%dma_start3A_253, %dma_start3A_254] : memref<56x1024xf32, #tpu.memory_space<vmem>> -> memref<8x1024xf32, #tpu.memory_space<vmem>>
      %dma_start3A_256 = arith.constant 0 : i32
      %dma_start3A_257 = tpu.memref_slice %arg2[%add3A_19, %dma_start3A_256] : memref<16384x1024xf32, #tpu.memory_space<hbm>> -> memref<8x1024xf32, #tpu.memory_space<hbm>>
      tpu.enqueue_dma source(%dma_start3A_257 : memref<8x1024xf32, #tpu.memory_space<hbm>>) target(%dma_start3A_255 : memref<8x1024xf32, #tpu.memory_space<vmem>>) target_semaphore(%arg10 : memref<!tpu.dma_semaphore, #tpu.memory_space<semaphore_mem>>)
    } else {
    }
    %eq3A = arith.constant 31 : i32
    %eq3A_22 = arith.cmpi eq, %add3A, %eq3A : i32
    %convert_element_type3A_23 = arith.extui %eq3A_22 : i1 to i32
    %cond3A_24 = arith.constant 0 : i32
    %cond3A_25 = arith.cmpi ne, %convert_element_type3A_23, %cond3A_24 : i32
    scf.if %cond3A_25 {
      %dma_start3A_248 = arith.constant 14744 : i32
      %dma_start3A_249 = arith.constant 0 : i32
      %dma_start3A_250 = tpu.memref_slice %arg2[%dma_start3A_248, %dma_start3A_249] : memref<16384x1024xf32, #tpu.memory_space<hbm>> -> memref<8x1024xf32, #tpu.memory_space<hbm>>
      %dma_start3A_251 = arith.constant 14744 : i32
      %dma_start3A_252 = arith.constant 0 : i32
      %dma_start3A_253 = tpu.memref_slice %arg2[%dma_start3A_251, %dma_start3A_252] : memref<16384x1024xf32, #tpu.memory_space<hbm>> -> memref<8x1024xf32, #tpu.memory_space<hbm>>
      tpu.enqueue_dma source(%dma_start3A_253 : memref<8x1024xf32, #tpu.memory_space<hbm>>) target(%arg7 : memref<8x1024xf32, #tpu.memory_space<vmem>>) target_semaphore(%arg10 : memref<!tpu.dma_semaphore, #tpu.memory_space<semaphore_mem>>)
    } else {
    }
    %scan3A = arith.constant 0 : i32
    %scan3A_26 = arith.constant 0 : i32
    %scan3A_27 = arith.constant 32 : i32
    %scan3A_28 = arith.addi %scan3A_26, %scan3A_27 : i32
    %scan3A_29 = arith.constant 1 : i32
    scf.for %scan3A_248 = %scan3A_26 to %scan3A_28 step %scan3A_29  : i32 {
      %broadcast_in_dim3A = arith.constant 0.000000e+00 : f32
      %broadcast_in_dim3A_249 = vector.broadcast %broadcast_in_dim3A : f32 to vector<16xf32>
      %swap3A = arith.index_cast %scan3A_248 : i32 to index
      %swap3A_250 = arith.constant 0 : index
      %swap3A_251 = tpu.vector_load %arg5[%swap3A, %swap3A_250] {strides = array<i32>} : memref<32x1024xf32, #tpu.memory_space<vmem>>, vector<1x16xf32>,
      %swap3A_252 = vector.shape_cast %swap3A_251 : vector<1x16xf32> to vector<16xf32>
      %swap3A_253 = vector.shape_cast %broadcast_in_dim3A_249 : vector<16xf32> to vector<1x16xf32>
      tpu.vector_store %arg5[%swap3A, %swap3A_250], %swap3A_253 {strides = array<i32>} : memref<32x1024xf32, #tpu.memory_space<vmem>>, vector<1x16xf32>,
      %broadcast_in_dim3A_254 = arith.constant 0.000000e+00 : f32
      %broadcast_in_dim3A_255 = vector.broadcast %broadcast_in_dim3A_254 : f32 to vector<16xf32>
      %swap3A_256 = arith.index_cast %scan3A_248 : i32 to index
      %swap3A_257 = arith.constant 16 : index
      %swap3A_258 = tpu.vector_load %arg5[%swap3A_256, %swap3A_257] {strides = array<i32>} : memref<32x1024xf32, #tpu.memory_space<vmem>>, vector<1x16xf32>,
      %swap3A_259 = vector.shape_cast %swap3A_258 : vector<1x16xf32> to vector<16xf32>
      %swap3A_260 = vector.shape_cast %broadcast_in_dim3A_255 : vector<16xf32> to vector<1x16xf32>
      tpu.vector_store %arg5[%swap3A_256, %swap3A_257], %swap3A_260 {strides = array<i32>} : memref<32x1024xf32, #tpu.memory_space<vmem>>, vector<1x16xf32>,
      %broadcast_in_dim3A_261 = arith.constant 0.000000e+00 : f32
      %broadcast_in_dim3A_262 = vector.broadcast %broadcast_in_dim3A_261 : f32 to vector<16xf32>
      %swap3A_263 = arith.index_cast %scan3A_248 : i32 to index
      %swap3A_264 = arith.constant 32 : index
      %swap3A_265 = tpu.vector_load %arg5[%swap3A_263, %swap3A_264] {strides = array<i32>} : memref<32x1024xf32, #tpu.memory_space<vmem>>, vector<1x16xf32>,
      %swap3A_266 = vector.shape_cast %swap3A_265 : vector<1x16xf32> to vector<16xf32>
      %swap3A_267 = vector.shape_cast %broadcast_in_dim3A_262 : vector<16xf32> to vector<1x16xf32>
      tpu.vector_store %arg5[%swap3A_263, %swap3A_264], %swap3A_267 {strides = array<i32>} : memref<32x1024xf32, #tpu.memory_space<vmem>>, vector<1x16xf32>,
      %broadcast_in_dim3A_268 = arith.constant 0.000000e+00 : f32
      %broadcast_in_dim3A_269 = vector.broadcast %broadcast_in_dim3A_268 : f32 to vector<16xf32>
      %swap3A_270 = arith.index_cast %scan3A_248 : i32 to index
      %swap3A_271 = arith.constant 48 : index
      %swap3A_272 = tpu.vector_load %arg5[%swap3A_270, %swap3A_271] {strides = array<i32>} : memref<32x1024xf32, #tpu.memory_space<vmem>>, vector<1x16xf32>,
      %swap3A_273 = vector.shape_cast %swap3A_272 : vector<1x16xf32> to vector<16xf32>
      %swap3A_274 = vector.shape_cast %broadcast_in_dim3A_269 : vector<16xf32> to vector<1x16xf32>
      tpu.vector_store %arg5[%swap3A_270, %swap3A_271], %swap3A_274 {strides = array<i32>} : memref<32x1024xf32, #tpu.memory_space<vmem>>, vector<1x16xf32>,
      %broadcast_in_dim3A_275 = arith.constant 0.000000e+00 : f32
      %broadcast_in_dim3A_276 = vector.broadcast %broadcast_in_dim3A_275 : f32 to vector<16xf32>
      %swap3A_277 = arith.index_cast %scan3A_248 : i32 to index
      %swap3A_278 = arith.constant 64 : index
      %swap3A_279 = tpu.vector_load %arg5[%swap3A_277, %swap3A_278] {strides = array<i32>} : memref<32x1024xf32, #tpu.memory_space<vmem>>, vector<1x16xf32>,
      %swap3A_280 = vector.shape_cast %swap3A_279 : vector<1x16xf32> to vector<16xf32>
      %swap3A_281 = vector.shape_cast %broadcast_in_dim3A_276 : vector<16xf32> to vector<1x16xf32>
      tpu.vector_store %arg5[%swap3A_277, %swap3A_278], %swap3A_281 {strides = array<i32>} : memref<32x1024xf32, #tpu.memory_space<vmem>>, vector<1x16xf32>,
      %broadcast_in_dim3A_282 = arith.constant 0.000000e+00 : f32
      %broadcast_in_dim3A_283 = vector.broadcast %broadcast_in_dim3A_282 : f32 to vector<16xf32>
      %swap3A_284 = arith.index_cast %scan3A_248 : i32 to index
      %swap3A_285 = arith.constant 80 : index
      %swap3A_286 = tpu.vector_load %arg5[%swap3A_284, %swap3A_285] {strides = array<i32>} : memref<32x1024xf32, #tpu.memory_space<vmem>>, vector<1x16xf32>,
      %swap3A_287 = vector.shape_cast %swap3A_286 : vector<1x16xf32> to vector<16xf32>
      %swap3A_288 = vector.shape_cast %broadcast_in_dim3A_283 : vector<16xf32> to vector<1x16xf32>
      tpu.vector_store %arg5[%swap3A_284, %swap3A_285], %swap3A_288 {strides = array<i32>} : memref<32x1024xf32, #tpu.memory_space<vmem>>, vector<1x16xf32>,
      %broadcast_in_dim3A_289 = arith.constant 0.000000e+00 : f32
      %broadcast_in_dim3A_290 = vector.broadcast %broadcast_in_dim3A_289 : f32 to vector<16xf32>
      %swap3A_291 = arith.index_cast %scan3A_248 : i32 to index
      %swap3A_292 = arith.constant 96 : index
      %swap3A_293 = tpu.vector_load %arg5[%swap3A_291, %swap3A_292] {strides = array<i32>} : memref<32x1024xf32, #tpu.memory_space<vmem>>, vector<1x16xf32>,
      %swap3A_294 = vector.shape_cast %swap3A_293 : vector<1x16xf32> to vector<16xf32>
      %swap3A_295 = vector.shape_cast %broadcast_in_dim3A_290 : vector<16xf32> to vector<1x16xf32>
      tpu.vector_store %arg5[%swap3A_291, %swap3A_292], %swap3A_295 {strides = array<i32>} : memref<32x1024xf32, #tpu.memory_space<vmem>>, vector<1x16xf32>,
      %broadcast_in_dim3A_296 = arith.constant 0.000000e+00 : f32
      %broadcast_in_dim3A_297 = vector.broadcast %broadcast_in_dim3A_296 : f32 to vector<16xf32>
      %swap3A_298 = arith.index_cast %scan3A_248 : i32 to index
      %swap3A_299 = arith.constant 112 : index
      %swap3A_300 = tpu.vector_load %arg5[%swap3A_298, %swap3A_299] {strides = array<i32>} : memref<32x1024xf32, #tpu.memory_space<vmem>>, vector<1x16xf32>,
      %swap3A_301 = vector.shape_cast %swap3A_300 : vector<1x16xf32> to vector<16xf32>
      %swap3A_302 = vector.shape_cast %broadcast_in_dim3A_297 : vector<16xf32> to vector<1x16xf32>
      tpu.vector_store %arg5[%swap3A_298, %swap3A_299], %swap3A_302 {strides = array<i32>} : memref<32x1024xf32, #tpu.memory_space<vmem>>, vector<1x16xf32>,
      %broadcast_in_dim3A_303 = arith.constant 0.000000e+00 : f32
      %broadcast_in_dim3A_304 = vector.broadcast %broadcast_in_dim3A_303 : f32 to vector<16xf32>
      %swap3A_305 = arith.index_cast %scan3A_248 : i32 to index
      %swap3A_306 = arith.constant 128 : index
      %swap3A_307 = tpu.vector_load %arg5[%swap3A_305, %swap3A_306] {strides = array<i32>} : memref<32x1024xf32, #tpu.memory_space<vmem>>, vector<1x16xf32>,
      %swap3A_308 = vector.shape_cast %swap3A_307 : vector<1x16xf32> to vector<16xf32>
      %swap3A_309 = vector.shape_cast %broadcast_in_dim3A_304 : vector<16xf32> to vector<1x16xf32>
      tpu.vector_store %arg5[%swap3A_305, %swap3A_306], %swap3A_309 {strides = array<i32>} : memref<32x1024xf32, #tpu.memory_space<vmem>>, vector<1x16xf32>,
      %broadcast_in_dim3A_310 = arith.constant 0.000000e+00 : f32
      %broadcast_in_dim3A_311 = vector.broadcast %broadcast_in_dim3A_310 : f32 to vector<16xf32>
      %swap3A_312 = arith.index_cast %scan3A_248 : i32 to index
      %swap3A_313 = arith.constant 144 : index
      %swap3A_314 = tpu.vector_load %arg5[%swap3A_312, %swap3A_313] {strides = array<i32>} : memref<32x1024xf32, #tpu.memory_space<vmem>>, vector<1x16xf32>,
      %swap3A_315 = vector.shape_cast %swap3A_314 : vector<1x16xf32> to vector<16xf32>
      %swap3A_316 = vector.shape_cast %broadcast_in_dim3A_311 : vector<16xf32> to vector<1x16xf32>
      tpu.vector_store %arg5[%swap3A_312, %swap3A_313], %swap3A_316 {strides = array<i32>} : memref<32x1024xf32, #tpu.memory_space<vmem>>, vector<1x16xf32>,
      %broadcast_in_dim3A_317 = arith.constant 0.000000e+00 : f32
      %broadcast_in_dim3A_318 = vector.broadcast %broadcast_in_dim3A_317 : f32 to vector<16xf32>
      %swap3A_319 = arith.index_cast %scan3A_248 : i32 to index
      %swap3A_320 = arith.constant 160 : index
      %swap3A_321 = tpu.vector_load %arg5[%swap3A_319, %swap3A_320] {strides = array<i32>} : memref<32x1024xf32, #tpu.memory_space<vmem>>, vector<1x16xf32>,
      %swap3A_322 = vector.shape_cast %swap3A_321 : vector<1x16xf32> to vector<16xf32>
      %swap3A_323 = vector.shape_cast %broadcast_in_dim3A_318 : vector<16xf32> to vector<1x16xf32>
      tpu.vector_store %arg5[%swap3A_319, %swap3A_320], %swap3A_323 {strides = array<i32>} : memref<32x1024xf32, #tpu.memory_space<vmem>>, vector<1x16xf32>,
      %broadcast_in_dim3A_324 = arith.constant 0.000000e+00 : f32
      %broadcast_in_dim3A_325 = vector.broadcast %broadcast_in_dim3A_324 : f32 to vector<16xf32>
      %swap3A_326 = arith.index_cast %scan3A_248 : i32 to index
      %swap3A_327 = arith.constant 176 : index
      %swap3A_328 = tpu.vector_load %arg5[%swap3A_326, %swap3A_327] {strides = array<i32>} : memref<32x1024xf32, #tpu.memory_space<vmem>>, vector<1x16xf32>,
      %swap3A_329 = vector.shape_cast %swap3A_328 : vector<1x16xf32> to vector<16xf32>
      %swap3A_330 = vector.shape_cast %broadcast_in_dim3A_325 : vector<16xf32> to vector<1x16xf32>
      tpu.vector_store %arg5[%swap3A_326, %swap3A_327], %swap3A_330 {strides = array<i32>} : memref<32x1024xf32, #tpu.memory_space<vmem>>, vector<1x16xf32>,
      %broadcast_in_dim3A_331 = arith.constant 0.000000e+00 : f32
      %broadcast_in_dim3A_332 = vector.broadcast %broadcast_in_dim3A_331 : f32 to vector<16xf32>
      %swap3A_333 = arith.index_cast %scan3A_248 : i32 to index
      %swap3A_334 = arith.constant 192 : index
      %swap3A_335 = tpu.vector_load %arg5[%swap3A_333, %swap3A_334] {strides = array<i32>} : memref<32x1024xf32, #tpu.memory_space<vmem>>, vector<1x16xf32>,
      %swap3A_336 = vector.shape_cast %swap3A_335 : vector<1x16xf32> to vector<16xf32>
      %swap3A_337 = vector.shape_cast %broadcast_in_dim3A_332 : vector<16xf32> to vector<1x16xf32>
      tpu.vector_store %arg5[%swap3A_333, %swap3A_334], %swap3A_337 {strides = array<i32>} : memref<32x1024xf32, #tpu.memory_space<vmem>>, vector<1x16xf32>,
      %broadcast_in_dim3A_338 = arith.constant 0.000000e+00 : f32
      %broadcast_in_dim3A_339 = vector.broadcast %broadcast_in_dim3A_338 : f32 to vector<16xf32>
      %swap3A_340 = arith.index_cast %scan3A_248 : i32 to index
      %swap3A_341 = arith.constant 208 : index
      %swap3A_342 = tpu.vector_load %arg5[%swap3A_340, %swap3A_341] {strides = array<i32>} : memref<32x1024xf32, #tpu.memory_space<vmem>>, vector<1x16xf32>,
      %swap3A_343 = vector.shape_cast %swap3A_342 : vector<1x16xf32> to vector<16xf32>
      %swap3A_344 = vector.shape_cast %broadcast_in_dim3A_339 : vector<16xf32> to vector<1x16xf32>
      tpu.vector_store %arg5[%swap3A_340, %swap3A_341], %swap3A_344 {strides = array<i32>} : memref<32x1024xf32, #tpu.memory_space<vmem>>, vector<1x16xf32>,
      %broadcast_in_dim3A_345 = arith.constant 0.000000e+00 : f32
      %broadcast_in_dim3A_346 = vector.broadcast %broadcast_in_dim3A_345 : f32 to vector<16xf32>
      %swap3A_347 = arith.index_cast %scan3A_248 : i32 to index
      %swap3A_348 = arith.constant 224 : index
      %swap3A_349 = tpu.vector_load %arg5[%swap3A_347, %swap3A_348] {strides = array<i32>} : memref<32x1024xf32, #tpu.memory_space<vmem>>, vector<1x16xf32>,
      %swap3A_350 = vector.shape_cast %swap3A_349 : vector<1x16xf32> to vector<16xf32>
      %swap3A_351 = vector.shape_cast %broadcast_in_dim3A_346 : vector<16xf32> to vector<1x16xf32>
      tpu.vector_store %arg5[%swap3A_347, %swap3A_348], %swap3A_351 {strides = array<i32>} : memref<32x1024xf32, #tpu.memory_space<vmem>>, vector<1x16xf32>,
      %broadcast_in_dim3A_352 = arith.constant 0.000000e+00 : f32
      %broadcast_in_dim3A_353 = vector.broadcast %broadcast_in_dim3A_352 : f32 to vector<16xf32>
      %swap3A_354 = arith.index_cast %scan3A_248 : i32 to index
      %swap3A_355 = arith.constant 240 : index
      %swap3A_356 = tpu.vector_load %arg5[%swap3A_354, %swap3A_355] {strides = array<i32>} : memref<32x1024xf32, #tpu.memory_space<vmem>>, vector<1x16xf32>,
      %swap3A_357 = vector.shape_cast %swap3A_356 : vector<1x16xf32> to vector<16xf32>
      %swap3A_358 = vector.shape_cast %broadcast_in_dim3A_353 : vector<16xf32> to vector<1x16xf32>
      tpu.vector_store %arg5[%swap3A_354, %swap3A_355], %swap3A_358 {strides = array<i32>} : memref<32x1024xf32, #tpu.memory_space<vmem>>, vector<1x16xf32>,
      %broadcast_in_dim3A_359 = arith.constant 0.000000e+00 : f32
      %broadcast_in_dim3A_360 = vector.broadcast %broadcast_in_dim3A_359 : f32 to vector<16xf32>
      %swap3A_361 = arith.index_cast %scan3A_248 : i32 to index
      %swap3A_362 = arith.constant 256 : index
      %swap3A_363 = tpu.vector_load %arg5[%swap3A_361, %swap3A_362] {strides = array<i32>} : memref<32x1024xf32, #tpu.memory_space<vmem>>, vector<1x16xf32>,
      %swap3A_364 = vector.shape_cast %swap3A_363 : vector<1x16xf32> to vector<16xf32>
      %swap3A_365 = vector.shape_cast %broadcast_in_dim3A_360 : vector<16xf32> to vector<1x16xf32>
      tpu.vector_store %arg5[%swap3A_361, %swap3A_362], %swap3A_365 {strides = array<i32>} : memref<32x1024xf32, #tpu.memory_space<vmem>>, vector<1x16xf32>,
      %broadcast_in_dim3A_366 = arith.constant 0.000000e+00 : f32
      %broadcast_in_dim3A_367 = vector.broadcast %broadcast_in_dim3A_366 : f32 to vector<16xf32>
      %swap3A_368 = arith.index_cast %scan3A_248 : i32 to index
      %swap3A_369 = arith.constant 272 : index
      %swap3A_370 = tpu.vector_load %arg5[%swap3A_368, %swap3A_369] {strides = array<i32>} : memref<32x1024xf32, #tpu.memory_space<vmem>>, vector<1x16xf32>,
      %swap3A_371 = vector.shape_cast %swap3A_370 : vector<1x16xf32> to vector<16xf32>
      %swap3A_372 = vector.shape_cast %broadcast_in_dim3A_367 : vector<16xf32> to vector<1x16xf32>
      tpu.vector_store %arg5[%swap3A_368, %swap3A_369], %swap3A_372 {strides = array<i32>} : memref<32x1024xf32, #tpu.memory_space<vmem>>, vector<1x16xf32>,
      %broadcast_in_dim3A_373 = arith.constant 0.000000e+00 : f32
      %broadcast_in_dim3A_374 = vector.broadcast %broadcast_in_dim3A_373 : f32 to vector<16xf32>
      %swap3A_375 = arith.index_cast %scan3A_248 : i32 to index
      %swap3A_376 = arith.constant 288 : index
      %swap3A_377 = tpu.vector_load %arg5[%swap3A_375, %swap3A_376] {strides = array<i32>} : memref<32x1024xf32, #tpu.memory_space<vmem>>, vector<1x16xf32>,
      %swap3A_378 = vector.shape_cast %swap3A_377 : vector<1x16xf32> to vector<16xf32>
      %swap3A_379 = vector.shape_cast %broadcast_in_dim3A_374 : vector<16xf32> to vector<1x16xf32>
      tpu.vector_store %arg5[%swap3A_375, %swap3A_376], %swap3A_379 {strides = array<i32>} : memref<32x1024xf32, #tpu.memory_space<vmem>>, vector<1x16xf32>,
      %broadcast_in_dim3A_380 = arith.constant 0.000000e+00 : f32
      %broadcast_in_dim3A_381 = vector.broadcast %broadcast_in_dim3A_380 : f32 to vector<16xf32>
      %swap3A_382 = arith.index_cast %scan3A_248 : i32 to index
      %swap3A_383 = arith.constant 304 : index
      %swap3A_384 = tpu.vector_load %arg5[%swap3A_382, %swap3A_383] {strides = array<i32>} : memref<32x1024xf32, #tpu.memory_space<vmem>>, vector<1x16xf32>,
      %swap3A_385 = vector.shape_cast %swap3A_384 : vector<1x16xf32> to vector<16xf32>
      %swap3A_386 = vector.shape_cast %broadcast_in_dim3A_381 : vector<16xf32> to vector<1x16xf32>
      tpu.vector_store %arg5[%swap3A_382, %swap3A_383], %swap3A_386 {strides = array<i32>} : memref<32x1024xf32, #tpu.memory_space<vmem>>, vector<1x16xf32>,
      %broadcast_in_dim3A_387 = arith.constant 0.000000e+00 : f32
      %broadcast_in_dim3A_388 = vector.broadcast %broadcast_in_dim3A_387 : f32 to vector<16xf32>
      %swap3A_389 = arith.index_cast %scan3A_248 : i32 to index
      %swap3A_390 = arith.constant 320 : index
      %swap3A_391 = tpu.vector_load %arg5[%swap3A_389, %swap3A_390] {strides = array<i32>} : memref<32x1024xf32, #tpu.memory_space<vmem>>, vector<1x16xf32>,
      %swap3A_392 = vector.shape_cast %swap3A_391 : vector<1x16xf32> to vector<16xf32>
      %swap3A_393 = vector.shape_cast %broadcast_in_dim3A_388 : vector<16xf32> to vector<1x16xf32>
      tpu.vector_store %arg5[%swap3A_389, %swap3A_390], %swap3A_393 {strides = array<i32>} : memref<32x1024xf32, #tpu.memory_space<vmem>>, vector<1x16xf32>,
      %broadcast_in_dim3A_394 = arith.constant 0.000000e+00 : f32
      %broadcast_in_dim3A_395 = vector.broadcast %broadcast_in_dim3A_394 : f32 to vector<16xf32>
      %swap3A_396 = arith.index_cast %scan3A_248 : i32 to index
      %swap3A_397 = arith.constant 336 : index
      %swap3A_398 = tpu.vector_load %arg5[%swap3A_396, %swap3A_397] {strides = array<i32>} : memref<32x1024xf32, #tpu.memory_space<vmem>>, vector<1x16xf32>,
      %swap3A_399 = vector.shape_cast %swap3A_398 : vector<1x16xf32> to vector<16xf32>
      %swap3A_400 = vector.shape_cast %broadcast_in_dim3A_395 : vector<16xf32> to vector<1x16xf32>
      tpu.vector_store %arg5[%swap3A_396, %swap3A_397], %swap3A_400 {strides = array<i32>} : memref<32x1024xf32, #tpu.memory_space<vmem>>, vector<1x16xf32>,
      %broadcast_in_dim3A_401 = arith.constant 0.000000e+00 : f32
      %broadcast_in_dim3A_402 = vector.broadcast %broadcast_in_dim3A_401 : f32 to vector<16xf32>
      %swap3A_403 = arith.index_cast %scan3A_248 : i32 to index
      %swap3A_404 = arith.constant 352 : index
      %swap3A_405 = tpu.vector_load %arg5[%swap3A_403, %swap3A_404] {strides = array<i32>} : memref<32x1024xf32, #tpu.memory_space<vmem>>, vector<1x16xf32>,
      %swap3A_406 = vector.shape_cast %swap3A_405 : vector<1x16xf32> to vector<16xf32>
      %swap3A_407 = vector.shape_cast %broadcast_in_dim3A_402 : vector<16xf32> to vector<1x16xf32>
      tpu.vector_store %arg5[%swap3A_403, %swap3A_404], %swap3A_407 {strides = array<i32>} : memref<32x1024xf32, #tpu.memory_space<vmem>>, vector<1x16xf32>,
      %broadcast_in_dim3A_408 = arith.constant 0.000000e+00 : f32
      %broadcast_in_dim3A_409 = vector.broadcast %broadcast_in_dim3A_408 : f32 to vector<16xf32>
      %swap3A_410 = arith.index_cast %scan3A_248 : i32 to index
      %swap3A_411 = arith.constant 368 : index
      %swap3A_412 = tpu.vector_load %arg5[%swap3A_410, %swap3A_411] {strides = array<i32>} : memref<32x1024xf32, #tpu.memory_space<vmem>>, vector<1x16xf32>,
      %swap3A_413 = vector.shape_cast %swap3A_412 : vector<1x16xf32> to vector<16xf32>
      %swap3A_414 = vector.shape_cast %broadcast_in_dim3A_409 : vector<16xf32> to vector<1x16xf32>
      tpu.vector_store %arg5[%swap3A_410, %swap3A_411], %swap3A_414 {strides = array<i32>} : memref<32x1024xf32, #tpu.memory_space<vmem>>, vector<1x16xf32>,
      %broadcast_in_dim3A_415 = arith.constant 0.000000e+00 : f32
      %broadcast_in_dim3A_416 = vector.broadcast %broadcast_in_dim3A_415 : f32 to vector<16xf32>
      %swap3A_417 = arith.index_cast %scan3A_248 : i32 to index
      %swap3A_418 = arith.constant 384 : index
      %swap3A_419 = tpu.vector_load %arg5[%swap3A_417, %swap3A_418] {strides = array<i32>} : memref<32x1024xf32, #tpu.memory_space<vmem>>, vector<1x16xf32>,
      %swap3A_420 = vector.shape_cast %swap3A_419 : vector<1x16xf32> to vector<16xf32>
      %swap3A_421 = vector.shape_cast %broadcast_in_dim3A_416 : vector<16xf32> to vector<1x16xf32>
      tpu.vector_store %arg5[%swap3A_417, %swap3A_418], %swap3A_421 {strides = array<i32>} : memref<32x1024xf32, #tpu.memory_space<vmem>>, vector<1x16xf32>,
      %broadcast_in_dim3A_422 = arith.constant 0.000000e+00 : f32
      %broadcast_in_dim3A_423 = vector.broadcast %broadcast_in_dim3A_422 : f32 to vector<16xf32>
      %swap3A_424 = arith.index_cast %scan3A_248 : i32 to index
      %swap3A_425 = arith.constant 400 : index
      %swap3A_426 = tpu.vector_load %arg5[%swap3A_424, %swap3A_425] {strides = array<i32>} : memref<32x1024xf32, #tpu.memory_space<vmem>>, vector<1x16xf32>,
      %swap3A_427 = vector.shape_cast %swap3A_426 : vector<1x16xf32> to vector<16xf32>
      %swap3A_428 = vector.shape_cast %broadcast_in_dim3A_423 : vector<16xf32> to vector<1x16xf32>
      tpu.vector_store %arg5[%swap3A_424, %swap3A_425], %swap3A_428 {strides = array<i32>} : memref<32x1024xf32, #tpu.memory_space<vmem>>, vector<1x16xf32>,
      %broadcast_in_dim3A_429 = arith.constant 0.000000e+00 : f32
      %broadcast_in_dim3A_430 = vector.broadcast %broadcast_in_dim3A_429 : f32 to vector<16xf32>
      %swap3A_431 = arith.index_cast %scan3A_248 : i32 to index
      %swap3A_432 = arith.constant 416 : index
      %swap3A_433 = tpu.vector_load %arg5[%swap3A_431, %swap3A_432] {strides = array<i32>} : memref<32x1024xf32, #tpu.memory_space<vmem>>, vector<1x16xf32>,
      %swap3A_434 = vector.shape_cast %swap3A_433 : vector<1x16xf32> to vector<16xf32>
      %swap3A_435 = vector.shape_cast %broadcast_in_dim3A_430 : vector<16xf32> to vector<1x16xf32>
      tpu.vector_store %arg5[%swap3A_431, %swap3A_432], %swap3A_435 {strides = array<i32>} : memref<32x1024xf32, #tpu.memory_space<vmem>>, vector<1x16xf32>,
      %broadcast_in_dim3A_436 = arith.constant 0.000000e+00 : f32
      %broadcast_in_dim3A_437 = vector.broadcast %broadcast_in_dim3A_436 : f32 to vector<16xf32>
      %swap3A_438 = arith.index_cast %scan3A_248 : i32 to index
      %swap3A_439 = arith.constant 432 : index
      %swap3A_440 = tpu.vector_load %arg5[%swap3A_438, %swap3A_439] {strides = array<i32>} : memref<32x1024xf32, #tpu.memory_space<vmem>>, vector<1x16xf32>,
      %swap3A_441 = vector.shape_cast %swap3A_440 : vector<1x16xf32> to vector<16xf32>
      %swap3A_442 = vector.shape_cast %broadcast_in_dim3A_437 : vector<16xf32> to vector<1x16xf32>
      tpu.vector_store %arg5[%swap3A_438, %swap3A_439], %swap3A_442 {strides = array<i32>} : memref<32x1024xf32, #tpu.memory_space<vmem>>, vector<1x16xf32>,
      %broadcast_in_dim3A_443 = arith.constant 0.000000e+00 : f32
      %broadcast_in_dim3A_444 = vector.broadcast %broadcast_in_dim3A_443 : f32 to vector<16xf32>
      %swap3A_445 = arith.index_cast %scan3A_248 : i32 to index
      %swap3A_446 = arith.constant 448 : index
      %swap3A_447 = tpu.vector_load %arg5[%swap3A_445, %swap3A_446] {strides = array<i32>} : memref<32x1024xf32, #tpu.memory_space<vmem>>, vector<1x16xf32>,
      %swap3A_448 = vector.shape_cast %swap3A_447 : vector<1x16xf32> to vector<16xf32>
      %swap3A_449 = vector.shape_cast %broadcast_in_dim3A_444 : vector<16xf32> to vector<1x16xf32>
      tpu.vector_store %arg5[%swap3A_445, %swap3A_446], %swap3A_449 {strides = array<i32>} : memref<32x1024xf32, #tpu.memory_space<vmem>>, vector<1x16xf32>,
      %broadcast_in_dim3A_450 = arith.constant 0.000000e+00 : f32
      %broadcast_in_dim3A_451 = vector.broadcast %broadcast_in_dim3A_450 : f32 to vector<16xf32>
      %swap3A_452 = arith.index_cast %scan3A_248 : i32 to index
      %swap3A_453 = arith.constant 464 : index
      %swap3A_454 = tpu.vector_load %arg5[%swap3A_452, %swap3A_453] {strides = array<i32>} : memref<32x1024xf32, #tpu.memory_space<vmem>>, vector<1x16xf32>,
      %swap3A_455 = vector.shape_cast %swap3A_454 : vector<1x16xf32> to vector<16xf32>
      %swap3A_456 = vector.shape_cast %broadcast_in_dim3A_451 : vector<16xf32> to vector<1x16xf32>
      tpu.vector_store %arg5[%swap3A_452, %swap3A_453], %swap3A_456 {strides = array<i32>} : memref<32x1024xf32, #tpu.memory_space<vmem>>, vector<1x16xf32>,
      %broadcast_in_dim3A_457 = arith.constant 0.000000e+00 : f32
      %broadcast_in_dim3A_458 = vector.broadcast %broadcast_in_dim3A_457 : f32 to vector<16xf32>
      %swap3A_459 = arith.index_cast %scan3A_248 : i32 to index
      %swap3A_460 = arith.constant 480 : index
      %swap3A_461 = tpu.vector_load %arg5[%swap3A_459, %swap3A_460] {strides = array<i32>} : memref<32x1024xf32, #tpu.memory_space<vmem>>, vector<1x16xf32>,
      %swap3A_462 = vector.shape_cast %swap3A_461 : vector<1x16xf32> to vector<16xf32>
      %swap3A_463 = vector.shape_cast %broadcast_in_dim3A_458 : vector<16xf32> to vector<1x16xf32>
      tpu.vector_store %arg5[%swap3A_459, %swap3A_460], %swap3A_463 {strides = array<i32>} : memref<32x1024xf32, #tpu.memory_space<vmem>>, vector<1x16xf32>,
      %broadcast_in_dim3A_464 = arith.constant 0.000000e+00 : f32
      %broadcast_in_dim3A_465 = vector.broadcast %broadcast_in_dim3A_464 : f32 to vector<16xf32>
      %swap3A_466 = arith.index_cast %scan3A_248 : i32 to index
      %swap3A_467 = arith.constant 496 : index
      %swap3A_468 = tpu.vector_load %arg5[%swap3A_466, %swap3A_467] {strides = array<i32>} : memref<32x1024xf32, #tpu.memory_space<vmem>>, vector<1x16xf32>,
      %swap3A_469 = vector.shape_cast %swap3A_468 : vector<1x16xf32> to vector<16xf32>
      %swap3A_470 = vector.shape_cast %broadcast_in_dim3A_465 : vector<16xf32> to vector<1x16xf32>
      tpu.vector_store %arg5[%swap3A_466, %swap3A_467], %swap3A_470 {strides = array<i32>} : memref<32x1024xf32, #tpu.memory_space<vmem>>, vector<1x16xf32>,
      %broadcast_in_dim3A_471 = arith.constant 0.000000e+00 : f32
      %broadcast_in_dim3A_472 = vector.broadcast %broadcast_in_dim3A_471 : f32 to vector<16xf32>
      %swap3A_473 = arith.index_cast %scan3A_248 : i32 to index
      %swap3A_474 = arith.constant 512 : index
      %swap3A_475 = tpu.vector_load %arg5[%swap3A_473, %swap3A_474] {strides = array<i32>} : memref<32x1024xf32, #tpu.memory_space<vmem>>, vector<1x16xf32>,
      %swap3A_476 = vector.shape_cast %swap3A_475 : vector<1x16xf32> to vector<16xf32>
      %swap3A_477 = vector.shape_cast %broadcast_in_dim3A_472 : vector<16xf32> to vector<1x16xf32>
      tpu.vector_store %arg5[%swap3A_473, %swap3A_474], %swap3A_477 {strides = array<i32>} : memref<32x1024xf32, #tpu.memory_space<vmem>>, vector<1x16xf32>,
      %broadcast_in_dim3A_478 = arith.constant 0.000000e+00 : f32
      %broadcast_in_dim3A_479 = vector.broadcast %broadcast_in_dim3A_478 : f32 to vector<16xf32>
      %swap3A_480 = arith.index_cast %scan3A_248 : i32 to index
      %swap3A_481 = arith.constant 528 : index
      %swap3A_482 = tpu.vector_load %arg5[%swap3A_480, %swap3A_481] {strides = array<i32>} : memref<32x1024xf32, #tpu.memory_space<vmem>>, vector<1x16xf32>,
      %swap3A_483 = vector.shape_cast %swap3A_482 : vector<1x16xf32> to vector<16xf32>
      %swap3A_484 = vector.shape_cast %broadcast_in_dim3A_479 : vector<16xf32> to vector<1x16xf32>
      tpu.vector_store %arg5[%swap3A_480, %swap3A_481], %swap3A_484 {strides = array<i32>} : memref<32x1024xf32, #tpu.memory_space<vmem>>, vector<1x16xf32>,
      %broadcast_in_dim3A_485 = arith.constant 0.000000e+00 : f32
      %broadcast_in_dim3A_486 = vector.broadcast %broadcast_in_dim3A_485 : f32 to vector<16xf32>
      %swap3A_487 = arith.index_cast %scan3A_248 : i32 to index
      %swap3A_488 = arith.constant 544 : index
      %swap3A_489 = tpu.vector_load %arg5[%swap3A_487, %swap3A_488] {strides = array<i32>} : memref<32x1024xf32, #tpu.memory_space<vmem>>, vector<1x16xf32>,
      %swap3A_490 = vector.shape_cast %swap3A_489 : vector<1x16xf32> to vector<16xf32>
      %swap3A_491 = vector.shape_cast %broadcast_in_dim3A_486 : vector<16xf32> to vector<1x16xf32>
      tpu.vector_store %arg5[%swap3A_487, %swap3A_488], %swap3A_491 {strides = array<i32>} : memref<32x1024xf32, #tpu.memory_space<vmem>>, vector<1x16xf32>,
      %broadcast_in_dim3A_492 = arith.constant 0.000000e+00 : f32
      %broadcast_in_dim3A_493 = vector.broadcast %broadcast_in_dim3A_492 : f32 to vector<16xf32>
      %swap3A_494 = arith.index_cast %scan3A_248 : i32 to index
      %swap3A_495 = arith.constant 560 : index
      %swap3A_496 = tpu.vector_load %arg5[%swap3A_494, %swap3A_495] {strides = array<i32>} : memref<32x1024xf32, #tpu.memory_space<vmem>>, vector<1x16xf32>,
      %swap3A_497 = vector.shape_cast %swap3A_496 : vector<1x16xf32> to vector<16xf32>
      %swap3A_498 = vector.shape_cast %broadcast_in_dim3A_493 : vector<16xf32> to vector<1x16xf32>
      tpu.vector_store %arg5[%swap3A_494, %swap3A_495], %swap3A_498 {strides = array<i32>} : memref<32x1024xf32, #tpu.memory_space<vmem>>, vector<1x16xf32>,
      %broadcast_in_dim3A_499 = arith.constant 0.000000e+00 : f32
      %broadcast_in_dim3A_500 = vector.broadcast %broadcast_in_dim3A_499 : f32 to vector<16xf32>
      %swap3A_501 = arith.index_cast %scan3A_248 : i32 to index
      %swap3A_502 = arith.constant 576 : index
      %swap3A_503 = tpu.vector_load %arg5[%swap3A_501, %swap3A_502] {strides = array<i32>} : memref<32x1024xf32, #tpu.memory_space<vmem>>, vector<1x16xf32>,
      %swap3A_504 = vector.shape_cast %swap3A_503 : vector<1x16xf32> to vector<16xf32>
      %swap3A_505 = vector.shape_cast %broadcast_in_dim3A_500 : vector<16xf32> to vector<1x16xf32>
      tpu.vector_store %arg5[%swap3A_501, %swap3A_502], %swap3A_505 {strides = array<i32>} : memref<32x1024xf32, #tpu.memory_space<vmem>>, vector<1x16xf32>,
      %broadcast_in_dim3A_506 = arith.constant 0.000000e+00 : f32
      %broadcast_in_dim3A_507 = vector.broadcast %broadcast_in_dim3A_506 : f32 to vector<16xf32>
      %swap3A_508 = arith.index_cast %scan3A_248 : i32 to index
      %swap3A_509 = arith.constant 592 : index
      %swap3A_510 = tpu.vector_load %arg5[%swap3A_508, %swap3A_509] {strides = array<i32>} : memref<32x1024xf32, #tpu.memory_space<vmem>>, vector<1x16xf32>,
      %swap3A_511 = vector.shape_cast %swap3A_510 : vector<1x16xf32> to vector<16xf32>
      %swap3A_512 = vector.shape_cast %broadcast_in_dim3A_507 : vector<16xf32> to vector<1x16xf32>
      tpu.vector_store %arg5[%swap3A_508, %swap3A_509], %swap3A_512 {strides = array<i32>} : memref<32x1024xf32, #tpu.memory_space<vmem>>, vector<1x16xf32>,
      %broadcast_in_dim3A_513 = arith.constant 0.000000e+00 : f32
      %broadcast_in_dim3A_514 = vector.broadcast %broadcast_in_dim3A_513 : f32 to vector<16xf32>
      %swap3A_515 = arith.index_cast %scan3A_248 : i32 to index
      %swap3A_516 = arith.constant 608 : index
      %swap3A_517 = tpu.vector_load %arg5[%swap3A_515, %swap3A_516] {strides = array<i32>} : memref<32x1024xf32, #tpu.memory_space<vmem>>, vector<1x16xf32>,
      %swap3A_518 = vector.shape_cast %swap3A_517 : vector<1x16xf32> to vector<16xf32>
      %swap3A_519 = vector.shape_cast %broadcast_in_dim3A_514 : vector<16xf32> to vector<1x16xf32>
      tpu.vector_store %arg5[%swap3A_515, %swap3A_516], %swap3A_519 {strides = array<i32>} : memref<32x1024xf32, #tpu.memory_space<vmem>>, vector<1x16xf32>,
      %broadcast_in_dim3A_520 = arith.constant 0.000000e+00 : f32
      %broadcast_in_dim3A_521 = vector.broadcast %broadcast_in_dim3A_520 : f32 to vector<16xf32>
      %swap3A_522 = arith.index_cast %scan3A_248 : i32 to index
      %swap3A_523 = arith.constant 624 : index
      %swap3A_524 = tpu.vector_load %arg5[%swap3A_522, %swap3A_523] {strides = array<i32>} : memref<32x1024xf32, #tpu.memory_space<vmem>>, vector<1x16xf32>,
      %swap3A_525 = vector.shape_cast %swap3A_524 : vector<1x16xf32> to vector<16xf32>
      %swap3A_526 = vector.shape_cast %broadcast_in_dim3A_521 : vector<16xf32> to vector<1x16xf32>
      tpu.vector_store %arg5[%swap3A_522, %swap3A_523], %swap3A_526 {strides = array<i32>} : memref<32x1024xf32, #tpu.memory_space<vmem>>, vector<1x16xf32>,
      %broadcast_in_dim3A_527 = arith.constant 0.000000e+00 : f32
      %broadcast_in_dim3A_528 = vector.broadcast %broadcast_in_dim3A_527 : f32 to vector<16xf32>
      %swap3A_529 = arith.index_cast %scan3A_248 : i32 to index
      %swap3A_530 = arith.constant 640 : index
      %swap3A_531 = tpu.vector_load %arg5[%swap3A_529, %swap3A_530] {strides = array<i32>} : memref<32x1024xf32, #tpu.memory_space<vmem>>, vector<1x16xf32>,
      %swap3A_532 = vector.shape_cast %swap3A_531 : vector<1x16xf32> to vector<16xf32>
      %swap3A_533 = vector.shape_cast %broadcast_in_dim3A_528 : vector<16xf32> to vector<1x16xf32>
      tpu.vector_store %arg5[%swap3A_529, %swap3A_530], %swap3A_533 {strides = array<i32>} : memref<32x1024xf32, #tpu.memory_space<vmem>>, vector<1x16xf32>,
      %broadcast_in_dim3A_534 = arith.constant 0.000000e+00 : f32
      %broadcast_in_dim3A_535 = vector.broadcast %broadcast_in_dim3A_534 : f32 to vector<16xf32>
      %swap3A_536 = arith.index_cast %scan3A_248 : i32 to index
      %swap3A_537 = arith.constant 656 : index
      %swap3A_538 = tpu.vector_load %arg5[%swap3A_536, %swap3A_537] {strides = array<i32>} : memref<32x1024xf32, #tpu.memory_space<vmem>>, vector<1x16xf32>,
      %swap3A_539 = vector.shape_cast %swap3A_538 : vector<1x16xf32> to vector<16xf32>
      %swap3A_540 = vector.shape_cast %broadcast_in_dim3A_535 : vector<16xf32> to vector<1x16xf32>
      tpu.vector_store %arg5[%swap3A_536, %swap3A_537], %swap3A_540 {strides = array<i32>} : memref<32x1024xf32, #tpu.memory_space<vmem>>, vector<1x16xf32>,
      %broadcast_in_dim3A_541 = arith.constant 0.000000e+00 : f32
      %broadcast_in_dim3A_542 = vector.broadcast %broadcast_in_dim3A_541 : f32 to vector<16xf32>
      %swap3A_543 = arith.index_cast %scan3A_248 : i32 to index
      %swap3A_544 = arith.constant 672 : index
      %swap3A_545 = tpu.vector_load %arg5[%swap3A_543, %swap3A_544] {strides = array<i32>} : memref<32x1024xf32, #tpu.memory_space<vmem>>, vector<1x16xf32>,
      %swap3A_546 = vector.shape_cast %swap3A_545 : vector<1x16xf32> to vector<16xf32>
      %swap3A_547 = vector.shape_cast %broadcast_in_dim3A_542 : vector<16xf32> to vector<1x16xf32>
      tpu.vector_store %arg5[%swap3A_543, %swap3A_544], %swap3A_547 {strides = array<i32>} : memref<32x1024xf32, #tpu.memory_space<vmem>>, vector<1x16xf32>,
      %broadcast_in_dim3A_548 = arith.constant 0.000000e+00 : f32
      %broadcast_in_dim3A_549 = vector.broadcast %broadcast_in_dim3A_548 : f32 to vector<16xf32>
      %swap3A_550 = arith.index_cast %scan3A_248 : i32 to index
      %swap3A_551 = arith.constant 688 : index
      %swap3A_552 = tpu.vector_load %arg5[%swap3A_550, %swap3A_551] {strides = array<i32>} : memref<32x1024xf32, #tpu.memory_space<vmem>>, vector<1x16xf32>,
      %swap3A_553 = vector.shape_cast %swap3A_552 : vector<1x16xf32> to vector<16xf32>
      %swap3A_554 = vector.shape_cast %broadcast_in_dim3A_549 : vector<16xf32> to vector<1x16xf32>
      tpu.vector_store %arg5[%swap3A_550, %swap3A_551], %swap3A_554 {strides = array<i32>} : memref<32x1024xf32, #tpu.memory_space<vmem>>, vector<1x16xf32>,
      %broadcast_in_dim3A_555 = arith.constant 0.000000e+00 : f32
      %broadcast_in_dim3A_556 = vector.broadcast %broadcast_in_dim3A_555 : f32 to vector<16xf32>
      %swap3A_557 = arith.index_cast %scan3A_248 : i32 to index
      %swap3A_558 = arith.constant 704 : index
      %swap3A_559 = tpu.vector_load %arg5[%swap3A_557, %swap3A_558] {strides = array<i32>} : memref<32x1024xf32, #tpu.memory_space<vmem>>, vector<1x16xf32>,
      %swap3A_560 = vector.shape_cast %swap3A_559 : vector<1x16xf32> to vector<16xf32>
      %swap3A_561 = vector.shape_cast %broadcast_in_dim3A_556 : vector<16xf32> to vector<1x16xf32>
      tpu.vector_store %arg5[%swap3A_557, %swap3A_558], %swap3A_561 {strides = array<i32>} : memref<32x1024xf32, #tpu.memory_space<vmem>>, vector<1x16xf32>,
      %broadcast_in_dim3A_562 = arith.constant 0.000000e+00 : f32
      %broadcast_in_dim3A_563 = vector.broadcast %broadcast_in_dim3A_562 : f32 to vector<16xf32>
      %swap3A_564 = arith.index_cast %scan3A_248 : i32 to index
      %swap3A_565 = arith.constant 720 : index
      %swap3A_566 = tpu.vector_load %arg5[%swap3A_564, %swap3A_565] {strides = array<i32>} : memref<32x1024xf32, #tpu.memory_space<vmem>>, vector<1x16xf32>,
      %swap3A_567 = vector.shape_cast %swap3A_566 : vector<1x16xf32> to vector<16xf32>
      %swap3A_568 = vector.shape_cast %broadcast_in_dim3A_563 : vector<16xf32> to vector<1x16xf32>
      tpu.vector_store %arg5[%swap3A_564, %swap3A_565], %swap3A_568 {strides = array<i32>} : memref<32x1024xf32, #tpu.memory_space<vmem>>, vector<1x16xf32>,
      %broadcast_in_dim3A_569 = arith.constant 0.000000e+00 : f32
      %broadcast_in_dim3A_570 = vector.broadcast %broadcast_in_dim3A_569 : f32 to vector<16xf32>
      %swap3A_571 = arith.index_cast %scan3A_248 : i32 to index
      %swap3A_572 = arith.constant 736 : index
      %swap3A_573 = tpu.vector_load %arg5[%swap3A_571, %swap3A_572] {strides = array<i32>} : memref<32x1024xf32, #tpu.memory_space<vmem>>, vector<1x16xf32>,
      %swap3A_574 = vector.shape_cast %swap3A_573 : vector<1x16xf32> to vector<16xf32>
      %swap3A_575 = vector.shape_cast %broadcast_in_dim3A_570 : vector<16xf32> to vector<1x16xf32>
      tpu.vector_store %arg5[%swap3A_571, %swap3A_572], %swap3A_575 {strides = array<i32>} : memref<32x1024xf32, #tpu.memory_space<vmem>>, vector<1x16xf32>,
      %broadcast_in_dim3A_576 = arith.constant 0.000000e+00 : f32
      %broadcast_in_dim3A_577 = vector.broadcast %broadcast_in_dim3A_576 : f32 to vector<16xf32>
      %swap3A_578 = arith.index_cast %scan3A_248 : i32 to index
      %swap3A_579 = arith.constant 752 : index
      %swap3A_580 = tpu.vector_load %arg5[%swap3A_578, %swap3A_579] {strides = array<i32>} : memref<32x1024xf32, #tpu.memory_space<vmem>>, vector<1x16xf32>,
      %swap3A_581 = vector.shape_cast %swap3A_580 : vector<1x16xf32> to vector<16xf32>
      %swap3A_582 = vector.shape_cast %broadcast_in_dim3A_577 : vector<16xf32> to vector<1x16xf32>
      tpu.vector_store %arg5[%swap3A_578, %swap3A_579], %swap3A_582 {strides = array<i32>} : memref<32x1024xf32, #tpu.memory_space<vmem>>, vector<1x16xf32>,
      %broadcast_in_dim3A_583 = arith.constant 0.000000e+00 : f32
      %broadcast_in_dim3A_584 = vector.broadcast %broadcast_in_dim3A_583 : f32 to vector<16xf32>
      %swap3A_585 = arith.index_cast %scan3A_248 : i32 to index
      %swap3A_586 = arith.constant 768 : index
      %swap3A_587 = tpu.vector_load %arg5[%swap3A_585, %swap3A_586] {strides = array<i32>} : memref<32x1024xf32, #tpu.memory_space<vmem>>, vector<1x16xf32>,
      %swap3A_588 = vector.shape_cast %swap3A_587 : vector<1x16xf32> to vector<16xf32>
      %swap3A_589 = vector.shape_cast %broadcast_in_dim3A_584 : vector<16xf32> to vector<1x16xf32>
      tpu.vector_store %arg5[%swap3A_585, %swap3A_586], %swap3A_589 {strides = array<i32>} : memref<32x1024xf32, #tpu.memory_space<vmem>>, vector<1x16xf32>,
      %broadcast_in_dim3A_590 = arith.constant 0.000000e+00 : f32
      %broadcast_in_dim3A_591 = vector.broadcast %broadcast_in_dim3A_590 : f32 to vector<16xf32>
      %swap3A_592 = arith.index_cast %scan3A_248 : i32 to index
      %swap3A_593 = arith.constant 784 : index
      %swap3A_594 = tpu.vector_load %arg5[%swap3A_592, %swap3A_593] {strides = array<i32>} : memref<32x1024xf32, #tpu.memory_space<vmem>>, vector<1x16xf32>,
      %swap3A_595 = vector.shape_cast %swap3A_594 : vector<1x16xf32> to vector<16xf32>
      %swap3A_596 = vector.shape_cast %broadcast_in_dim3A_591 : vector<16xf32> to vector<1x16xf32>
      tpu.vector_store %arg5[%swap3A_592, %swap3A_593], %swap3A_596 {strides = array<i32>} : memref<32x1024xf32, #tpu.memory_space<vmem>>, vector<1x16xf32>,
      %broadcast_in_dim3A_597 = arith.constant 0.000000e+00 : f32
      %broadcast_in_dim3A_598 = vector.broadcast %broadcast_in_dim3A_597 : f32 to vector<16xf32>
      %swap3A_599 = arith.index_cast %scan3A_248 : i32 to index
      %swap3A_600 = arith.constant 800 : index
      %swap3A_601 = tpu.vector_load %arg5[%swap3A_599, %swap3A_600] {strides = array<i32>} : memref<32x1024xf32, #tpu.memory_space<vmem>>, vector<1x16xf32>,
      %swap3A_602 = vector.shape_cast %swap3A_601 : vector<1x16xf32> to vector<16xf32>
      %swap3A_603 = vector.shape_cast %broadcast_in_dim3A_598 : vector<16xf32> to vector<1x16xf32>
      tpu.vector_store %arg5[%swap3A_599, %swap3A_600], %swap3A_603 {strides = array<i32>} : memref<32x1024xf32, #tpu.memory_space<vmem>>, vector<1x16xf32>,
      %broadcast_in_dim3A_604 = arith.constant 0.000000e+00 : f32
      %broadcast_in_dim3A_605 = vector.broadcast %broadcast_in_dim3A_604 : f32 to vector<16xf32>
      %swap3A_606 = arith.index_cast %scan3A_248 : i32 to index
      %swap3A_607 = arith.constant 816 : index
      %swap3A_608 = tpu.vector_load %arg5[%swap3A_606, %swap3A_607] {strides = array<i32>} : memref<32x1024xf32, #tpu.memory_space<vmem>>, vector<1x16xf32>,
      %swap3A_609 = vector.shape_cast %swap3A_608 : vector<1x16xf32> to vector<16xf32>
      %swap3A_610 = vector.shape_cast %broadcast_in_dim3A_605 : vector<16xf32> to vector<1x16xf32>
      tpu.vector_store %arg5[%swap3A_606, %swap3A_607], %swap3A_610 {strides = array<i32>} : memref<32x1024xf32, #tpu.memory_space<vmem>>, vector<1x16xf32>,
      %broadcast_in_dim3A_611 = arith.constant 0.000000e+00 : f32
      %broadcast_in_dim3A_612 = vector.broadcast %broadcast_in_dim3A_611 : f32 to vector<16xf32>
      %swap3A_613 = arith.index_cast %scan3A_248 : i32 to index
      %swap3A_614 = arith.constant 832 : index
      %swap3A_615 = tpu.vector_load %arg5[%swap3A_613, %swap3A_614] {strides = array<i32>} : memref<32x1024xf32, #tpu.memory_space<vmem>>, vector<1x16xf32>,
      %swap3A_616 = vector.shape_cast %swap3A_615 : vector<1x16xf32> to vector<16xf32>
      %swap3A_617 = vector.shape_cast %broadcast_in_dim3A_612 : vector<16xf32> to vector<1x16xf32>
      tpu.vector_store %arg5[%swap3A_613, %swap3A_614], %swap3A_617 {strides = array<i32>} : memref<32x1024xf32, #tpu.memory_space<vmem>>, vector<1x16xf32>,
      %broadcast_in_dim3A_618 = arith.constant 0.000000e+00 : f32
      %broadcast_in_dim3A_619 = vector.broadcast %broadcast_in_dim3A_618 : f32 to vector<16xf32>
      %swap3A_620 = arith.index_cast %scan3A_248 : i32 to index
      %swap3A_621 = arith.constant 848 : index
      %swap3A_622 = tpu.vector_load %arg5[%swap3A_620, %swap3A_621] {strides = array<i32>} : memref<32x1024xf32, #tpu.memory_space<vmem>>, vector<1x16xf32>,
      %swap3A_623 = vector.shape_cast %swap3A_622 : vector<1x16xf32> to vector<16xf32>
      %swap3A_624 = vector.shape_cast %broadcast_in_dim3A_619 : vector<16xf32> to vector<1x16xf32>
      tpu.vector_store %arg5[%swap3A_620, %swap3A_621], %swap3A_624 {strides = array<i32>} : memref<32x1024xf32, #tpu.memory_space<vmem>>, vector<1x16xf32>,
      %broadcast_in_dim3A_625 = arith.constant 0.000000e+00 : f32
      %broadcast_in_dim3A_626 = vector.broadcast %broadcast_in_dim3A_625 : f32 to vector<16xf32>
      %swap3A_627 = arith.index_cast %scan3A_248 : i32 to index
      %swap3A_628 = arith.constant 864 : index
      %swap3A_629 = tpu.vector_load %arg5[%swap3A_627, %swap3A_628] {strides = array<i32>} : memref<32x1024xf32, #tpu.memory_space<vmem>>, vector<1x16xf32>,
      %swap3A_630 = vector.shape_cast %swap3A_629 : vector<1x16xf32> to vector<16xf32>
      %swap3A_631 = vector.shape_cast %broadcast_in_dim3A_626 : vector<16xf32> to vector<1x16xf32>
      tpu.vector_store %arg5[%swap3A_627, %swap3A_628], %swap3A_631 {strides = array<i32>} : memref<32x1024xf32, #tpu.memory_space<vmem>>, vector<1x16xf32>,
      %broadcast_in_dim3A_632 = arith.constant 0.000000e+00 : f32
      %broadcast_in_dim3A_633 = vector.broadcast %broadcast_in_dim3A_632 : f32 to vector<16xf32>
      %swap3A_634 = arith.index_cast %scan3A_248 : i32 to index
      %swap3A_635 = arith.constant 880 : index
      %swap3A_636 = tpu.vector_load %arg5[%swap3A_634, %swap3A_635] {strides = array<i32>} : memref<32x1024xf32, #tpu.memory_space<vmem>>, vector<1x16xf32>,
      %swap3A_637 = vector.shape_cast %swap3A_636 : vector<1x16xf32> to vector<16xf32>
      %swap3A_638 = vector.shape_cast %broadcast_in_dim3A_633 : vector<16xf32> to vector<1x16xf32>
      tpu.vector_store %arg5[%swap3A_634, %swap3A_635], %swap3A_638 {strides = array<i32>} : memref<32x1024xf32, #tpu.memory_space<vmem>>, vector<1x16xf32>,
      %broadcast_in_dim3A_639 = arith.constant 0.000000e+00 : f32
      %broadcast_in_dim3A_640 = vector.broadcast %broadcast_in_dim3A_639 : f32 to vector<16xf32>
      %swap3A_641 = arith.index_cast %scan3A_248 : i32 to index
      %swap3A_642 = arith.constant 896 : index
      %swap3A_643 = tpu.vector_load %arg5[%swap3A_641, %swap3A_642] {strides = array<i32>} : memref<32x1024xf32, #tpu.memory_space<vmem>>, vector<1x16xf32>,
      %swap3A_644 = vector.shape_cast %swap3A_643 : vector<1x16xf32> to vector<16xf32>
      %swap3A_645 = vector.shape_cast %broadcast_in_dim3A_640 : vector<16xf32> to vector<1x16xf32>
      tpu.vector_store %arg5[%swap3A_641, %swap3A_642], %swap3A_645 {strides = array<i32>} : memref<32x1024xf32, #tpu.memory_space<vmem>>, vector<1x16xf32>,
      %broadcast_in_dim3A_646 = arith.constant 0.000000e+00 : f32
      %broadcast_in_dim3A_647 = vector.broadcast %broadcast_in_dim3A_646 : f32 to vector<16xf32>
      %swap3A_648 = arith.index_cast %scan3A_248 : i32 to index
      %swap3A_649 = arith.constant 912 : index
      %swap3A_650 = tpu.vector_load %arg5[%swap3A_648, %swap3A_649] {strides = array<i32>} : memref<32x1024xf32, #tpu.memory_space<vmem>>, vector<1x16xf32>,
      %swap3A_651 = vector.shape_cast %swap3A_650 : vector<1x16xf32> to vector<16xf32>
      %swap3A_652 = vector.shape_cast %broadcast_in_dim3A_647 : vector<16xf32> to vector<1x16xf32>
      tpu.vector_store %arg5[%swap3A_648, %swap3A_649], %swap3A_652 {strides = array<i32>} : memref<32x1024xf32, #tpu.memory_space<vmem>>, vector<1x16xf32>,
      %broadcast_in_dim3A_653 = arith.constant 0.000000e+00 : f32
      %broadcast_in_dim3A_654 = vector.broadcast %broadcast_in_dim3A_653 : f32 to vector<16xf32>
      %swap3A_655 = arith.index_cast %scan3A_248 : i32 to index
      %swap3A_656 = arith.constant 928 : index
      %swap3A_657 = tpu.vector_load %arg5[%swap3A_655, %swap3A_656] {strides = array<i32>} : memref<32x1024xf32, #tpu.memory_space<vmem>>, vector<1x16xf32>,
      %swap3A_658 = vector.shape_cast %swap3A_657 : vector<1x16xf32> to vector<16xf32>
      %swap3A_659 = vector.shape_cast %broadcast_in_dim3A_654 : vector<16xf32> to vector<1x16xf32>
      tpu.vector_store %arg5[%swap3A_655, %swap3A_656], %swap3A_659 {strides = array<i32>} : memref<32x1024xf32, #tpu.memory_space<vmem>>, vector<1x16xf32>,
      %broadcast_in_dim3A_660 = arith.constant 0.000000e+00 : f32
      %broadcast_in_dim3A_661 = vector.broadcast %broadcast_in_dim3A_660 : f32 to vector<16xf32>
      %swap3A_662 = arith.index_cast %scan3A_248 : i32 to index
      %swap3A_663 = arith.constant 944 : index
      %swap3A_664 = tpu.vector_load %arg5[%swap3A_662, %swap3A_663] {strides = array<i32>} : memref<32x1024xf32, #tpu.memory_space<vmem>>, vector<1x16xf32>,
      %swap3A_665 = vector.shape_cast %swap3A_664 : vector<1x16xf32> to vector<16xf32>
      %swap3A_666 = vector.shape_cast %broadcast_in_dim3A_661 : vector<16xf32> to vector<1x16xf32>
      tpu.vector_store %arg5[%swap3A_662, %swap3A_663], %swap3A_666 {strides = array<i32>} : memref<32x1024xf32, #tpu.memory_space<vmem>>, vector<1x16xf32>,
      %broadcast_in_dim3A_667 = arith.constant 0.000000e+00 : f32
      %broadcast_in_dim3A_668 = vector.broadcast %broadcast_in_dim3A_667 : f32 to vector<16xf32>
      %swap3A_669 = arith.index_cast %scan3A_248 : i32 to index
      %swap3A_670 = arith.constant 960 : index
      %swap3A_671 = tpu.vector_load %arg5[%swap3A_669, %swap3A_670] {strides = array<i32>} : memref<32x1024xf32, #tpu.memory_space<vmem>>, vector<1x16xf32>,
      %swap3A_672 = vector.shape_cast %swap3A_671 : vector<1x16xf32> to vector<16xf32>
      %swap3A_673 = vector.shape_cast %broadcast_in_dim3A_668 : vector<16xf32> to vector<1x16xf32>
      tpu.vector_store %arg5[%swap3A_669, %swap3A_670], %swap3A_673 {strides = array<i32>} : memref<32x1024xf32, #tpu.memory_space<vmem>>, vector<1x16xf32>,
      %broadcast_in_dim3A_674 = arith.constant 0.000000e+00 : f32
      %broadcast_in_dim3A_675 = vector.broadcast %broadcast_in_dim3A_674 : f32 to vector<16xf32>
      %swap3A_676 = arith.index_cast %scan3A_248 : i32 to index
      %swap3A_677 = arith.constant 976 : index
      %swap3A_678 = tpu.vector_load %arg5[%swap3A_676, %swap3A_677] {strides = array<i32>} : memref<32x1024xf32, #tpu.memory_space<vmem>>, vector<1x16xf32>,
      %swap3A_679 = vector.shape_cast %swap3A_678 : vector<1x16xf32> to vector<16xf32>
      %swap3A_680 = vector.shape_cast %broadcast_in_dim3A_675 : vector<16xf32> to vector<1x16xf32>
      tpu.vector_store %arg5[%swap3A_676, %swap3A_677], %swap3A_680 {strides = array<i32>} : memref<32x1024xf32, #tpu.memory_space<vmem>>, vector<1x16xf32>,
      %broadcast_in_dim3A_681 = arith.constant 0.000000e+00 : f32
      %broadcast_in_dim3A_682 = vector.broadcast %broadcast_in_dim3A_681 : f32 to vector<16xf32>
      %swap3A_683 = arith.index_cast %scan3A_248 : i32 to index
      %swap3A_684 = arith.constant 992 : index
      %swap3A_685 = tpu.vector_load %arg5[%swap3A_683, %swap3A_684] {strides = array<i32>} : memref<32x1024xf32, #tpu.memory_space<vmem>>, vector<1x16xf32>,
      %swap3A_686 = vector.shape_cast %swap3A_685 : vector<1x16xf32> to vector<16xf32>
      %swap3A_687 = vector.shape_cast %broadcast_in_dim3A_682 : vector<16xf32> to vector<1x16xf32>
      tpu.vector_store %arg5[%swap3A_683, %swap3A_684], %swap3A_687 {strides = array<i32>} : memref<32x1024xf32, #tpu.memory_space<vmem>>, vector<1x16xf32>,
      %broadcast_in_dim3A_688 = arith.constant 0.000000e+00 : f32
      %broadcast_in_dim3A_689 = vector.broadcast %broadcast_in_dim3A_688 : f32 to vector<16xf32>
      %swap3A_690 = arith.index_cast %scan3A_248 : i32 to index
      %swap3A_691 = arith.constant 1008 : index
      %swap3A_692 = tpu.vector_load %arg5[%swap3A_690, %swap3A_691] {strides = array<i32>} : memref<32x1024xf32, #tpu.memory_space<vmem>>, vector<1x16xf32>,
      %swap3A_693 = vector.shape_cast %swap3A_692 : vector<1x16xf32> to vector<16xf32>
      %swap3A_694 = vector.shape_cast %broadcast_in_dim3A_689 : vector<16xf32> to vector<1x16xf32>
      tpu.vector_store %arg5[%swap3A_690, %swap3A_691], %swap3A_694 {strides = array<i32>} : memref<32x1024xf32, #tpu.memory_space<vmem>>, vector<1x16xf32>,
    }
    %scan3A_30 = arith.constant 32 : i32
    %mul3A_31 = arith.constant 456 : i32
    %mul3A_32 = arith.muli %add3A, %mul3A_31 : i32
    %add3A_33 = arith.constant 0 : i32
    %add3A_34 = arith.addi %mul3A_32, %add3A_33 : i32
    %dma_start3A_35 = arith.constant 0 : i32
    %dma_start3A_36 = tpu.memref_slice %arg3[%add3A_34, %dma_start3A_35] : memref<16384x1024xf32, #tpu.memory_space<hbm>> -> memref<32x1024xf32, #tpu.memory_space<hbm>>
    %dma_start3A_37 = arith.constant 0 : i32
    %dma_start3A_38 = tpu.memref_slice %arg3[%add3A_34, %dma_start3A_37] : memref<16384x1024xf32, #tpu.memory_space<hbm>> -> memref<32x1024xf32, #tpu.memory_space<hbm>>
    tpu.enqueue_dma source(%arg5 : memref<32x1024xf32, #tpu.memory_space<vmem>>) target(%dma_start3A_38 : memref<32x1024xf32, #tpu.memory_space<hbm>>) target_semaphore(%arg9 : memref<!tpu.dma_semaphore, #tpu.memory_space<semaphore_mem>>)
    %add3A_39 = arith.constant 32 : i32
    %add3A_40 = arith.addi %mul3A_32, %add3A_39 : i32
    %dma_start3A_41 = arith.constant 0 : i32
    %dma_start3A_42 = tpu.memref_slice %arg3[%add3A_40, %dma_start3A_41] : memref<16384x1024xf32, #tpu.memory_space<hbm>> -> memref<32x1024xf32, #tpu.memory_space<hbm>>
    %dma_start3A_43 = arith.constant 0 : i32
    %dma_start3A_44 = tpu.memref_slice %arg3[%add3A_40, %dma_start3A_43] : memref<16384x1024xf32, #tpu.memory_space<hbm>> -> memref<32x1024xf32, #tpu.memory_space<hbm>>
    tpu.enqueue_dma source(%arg5 : memref<32x1024xf32, #tpu.memory_space<vmem>>) target(%dma_start3A_44 : memref<32x1024xf32, #tpu.memory_space<hbm>>) target_semaphore(%arg9 : memref<!tpu.dma_semaphore, #tpu.memory_space<semaphore_mem>>)
    %add3A_45 = arith.constant 64 : i32
    %add3A_46 = arith.addi %mul3A_32, %add3A_45 : i32
    %dma_start3A_47 = arith.constant 0 : i32
    %dma_start3A_48 = tpu.memref_slice %arg3[%add3A_46, %dma_start3A_47] : memref<16384x1024xf32, #tpu.memory_space<hbm>> -> memref<32x1024xf32, #tpu.memory_space<hbm>>
    %dma_start3A_49 = arith.constant 0 : i32
    %dma_start3A_50 = tpu.memref_slice %arg3[%add3A_46, %dma_start3A_49] : memref<16384x1024xf32, #tpu.memory_space<hbm>> -> memref<32x1024xf32, #tpu.memory_space<hbm>>
    tpu.enqueue_dma source(%arg5 : memref<32x1024xf32, #tpu.memory_space<vmem>>) target(%dma_start3A_50 : memref<32x1024xf32, #tpu.memory_space<hbm>>) target_semaphore(%arg9 : memref<!tpu.dma_semaphore, #tpu.memory_space<semaphore_mem>>)
    %add3A_51 = arith.constant 96 : i32
    %add3A_52 = arith.addi %mul3A_32, %add3A_51 : i32
    %dma_start3A_53 = arith.constant 0 : i32
    %dma_start3A_54 = tpu.memref_slice %arg3[%add3A_52, %dma_start3A_53] : memref<16384x1024xf32, #tpu.memory_space<hbm>> -> memref<32x1024xf32, #tpu.memory_space<hbm>>
    %dma_start3A_55 = arith.constant 0 : i32
    %dma_start3A_56 = tpu.memref_slice %arg3[%add3A_52, %dma_start3A_55] : memref<16384x1024xf32, #tpu.memory_space<hbm>> -> memref<32x1024xf32, #tpu.memory_space<hbm>>
    tpu.enqueue_dma source(%arg5 : memref<32x1024xf32, #tpu.memory_space<vmem>>) target(%dma_start3A_56 : memref<32x1024xf32, #tpu.memory_space<hbm>>) target_semaphore(%arg9 : memref<!tpu.dma_semaphore, #tpu.memory_space<semaphore_mem>>)
    %add3A_57 = arith.constant 128 : i32
    %add3A_58 = arith.addi %mul3A_32, %add3A_57 : i32
    %dma_start3A_59 = arith.constant 0 : i32
    %dma_start3A_60 = tpu.memref_slice %arg3[%add3A_58, %dma_start3A_59] : memref<16384x1024xf32, #tpu.memory_space<hbm>> -> memref<32x1024xf32, #tpu.memory_space<hbm>>
    %dma_start3A_61 = arith.constant 0 : i32
    %dma_start3A_62 = tpu.memref_slice %arg3[%add3A_58, %dma_start3A_61] : memref<16384x1024xf32, #tpu.memory_space<hbm>> -> memref<32x1024xf32, #tpu.memory_space<hbm>>
    tpu.enqueue_dma source(%arg5 : memref<32x1024xf32, #tpu.memory_space<vmem>>) target(%dma_start3A_62 : memref<32x1024xf32, #tpu.memory_space<hbm>>) target_semaphore(%arg9 : memref<!tpu.dma_semaphore, #tpu.memory_space<semaphore_mem>>)
    %add3A_63 = arith.constant 160 : i32
    %add3A_64 = arith.addi %mul3A_32, %add3A_63 : i32
    %dma_start3A_65 = arith.constant 0 : i32
    %dma_start3A_66 = tpu.memref_slice %arg3[%add3A_64, %dma_start3A_65] : memref<16384x1024xf32, #tpu.memory_space<hbm>> -> memref<32x1024xf32, #tpu.memory_space<hbm>>
    %dma_start3A_67 = arith.constant 0 : i32
    %dma_start3A_68 = tpu.memref_slice %arg3[%add3A_64, %dma_start3A_67] : memref<16384x1024xf32, #tpu.memory_space<hbm>> -> memref<32x1024xf32, #tpu.memory_space<hbm>>
    tpu.enqueue_dma source(%arg5 : memref<32x1024xf32, #tpu.memory_space<vmem>>) target(%dma_start3A_68 : memref<32x1024xf32, #tpu.memory_space<hbm>>) target_semaphore(%arg9 : memref<!tpu.dma_semaphore, #tpu.memory_space<semaphore_mem>>)
    %add3A_69 = arith.constant 192 : i32
    %add3A_70 = arith.addi %mul3A_32, %add3A_69 : i32
    %dma_start3A_71 = arith.constant 0 : i32
    %dma_start3A_72 = tpu.memref_slice %arg3[%add3A_70, %dma_start3A_71] : memref<16384x1024xf32, #tpu.memory_space<hbm>> -> memref<32x1024xf32, #tpu.memory_space<hbm>>
    %dma_start3A_73 = arith.constant 0 : i32
    %dma_start3A_74 = tpu.memref_slice %arg3[%add3A_70, %dma_start3A_73] : memref<16384x1024xf32, #tpu.memory_space<hbm>> -> memref<32x1024xf32, #tpu.memory_space<hbm>>
    tpu.enqueue_dma source(%arg5 : memref<32x1024xf32, #tpu.memory_space<vmem>>) target(%dma_start3A_74 : memref<32x1024xf32, #tpu.memory_space<hbm>>) target_semaphore(%arg9 : memref<!tpu.dma_semaphore, #tpu.memory_space<semaphore_mem>>)
    %add3A_75 = arith.constant 224 : i32
    %add3A_76 = arith.addi %mul3A_32, %add3A_75 : i32
    %dma_start3A_77 = arith.constant 0 : i32
    %dma_start3A_78 = tpu.memref_slice %arg3[%add3A_76, %dma_start3A_77] : memref<16384x1024xf32, #tpu.memory_space<hbm>> -> memref<32x1024xf32, #tpu.memory_space<hbm>>
    %dma_start3A_79 = arith.constant 0 : i32
    %dma_start3A_80 = tpu.memref_slice %arg3[%add3A_76, %dma_start3A_79] : memref<16384x1024xf32, #tpu.memory_space<hbm>> -> memref<32x1024xf32, #tpu.memory_space<hbm>>
    tpu.enqueue_dma source(%arg5 : memref<32x1024xf32, #tpu.memory_space<vmem>>) target(%dma_start3A_80 : memref<32x1024xf32, #tpu.memory_space<hbm>>) target_semaphore(%arg9 : memref<!tpu.dma_semaphore, #tpu.memory_space<semaphore_mem>>)
    %add3A_81 = arith.constant 256 : i32
    %add3A_82 = arith.addi %mul3A_32, %add3A_81 : i32
    %dma_start3A_83 = arith.constant 0 : i32
    %dma_start3A_84 = tpu.memref_slice %arg3[%add3A_82, %dma_start3A_83] : memref<16384x1024xf32, #tpu.memory_space<hbm>> -> memref<32x1024xf32, #tpu.memory_space<hbm>>
    %dma_start3A_85 = arith.constant 0 : i32
    %dma_start3A_86 = tpu.memref_slice %arg3[%add3A_82, %dma_start3A_85] : memref<16384x1024xf32, #tpu.memory_space<hbm>> -> memref<32x1024xf32, #tpu.memory_space<hbm>>
    tpu.enqueue_dma source(%arg5 : memref<32x1024xf32, #tpu.memory_space<vmem>>) target(%dma_start3A_86 : memref<32x1024xf32, #tpu.memory_space<hbm>>) target_semaphore(%arg9 : memref<!tpu.dma_semaphore, #tpu.memory_space<semaphore_mem>>)
    %add3A_87 = arith.constant 288 : i32
    %add3A_88 = arith.addi %mul3A_32, %add3A_87 : i32
    %dma_start3A_89 = arith.constant 0 : i32
    %dma_start3A_90 = tpu.memref_slice %arg3[%add3A_88, %dma_start3A_89] : memref<16384x1024xf32, #tpu.memory_space<hbm>> -> memref<32x1024xf32, #tpu.memory_space<hbm>>
    %dma_start3A_91 = arith.constant 0 : i32
    %dma_start3A_92 = tpu.memref_slice %arg3[%add3A_88, %dma_start3A_91] : memref<16384x1024xf32, #tpu.memory_space<hbm>> -> memref<32x1024xf32, #tpu.memory_space<hbm>>
    tpu.enqueue_dma source(%arg5 : memref<32x1024xf32, #tpu.memory_space<vmem>>) target(%dma_start3A_92 : memref<32x1024xf32, #tpu.memory_space<hbm>>) target_semaphore(%arg9 : memref<!tpu.dma_semaphore, #tpu.memory_space<semaphore_mem>>)
    %add3A_93 = arith.constant 320 : i32
    %add3A_94 = arith.addi %mul3A_32, %add3A_93 : i32
    %dma_start3A_95 = arith.constant 0 : i32
    %dma_start3A_96 = tpu.memref_slice %arg3[%add3A_94, %dma_start3A_95] : memref<16384x1024xf32, #tpu.memory_space<hbm>> -> memref<32x1024xf32, #tpu.memory_space<hbm>>
    %dma_start3A_97 = arith.constant 0 : i32
    %dma_start3A_98 = tpu.memref_slice %arg3[%add3A_94, %dma_start3A_97] : memref<16384x1024xf32, #tpu.memory_space<hbm>> -> memref<32x1024xf32, #tpu.memory_space<hbm>>
    tpu.enqueue_dma source(%arg5 : memref<32x1024xf32, #tpu.memory_space<vmem>>) target(%dma_start3A_98 : memref<32x1024xf32, #tpu.memory_space<hbm>>) target_semaphore(%arg9 : memref<!tpu.dma_semaphore, #tpu.memory_space<semaphore_mem>>)
    %add3A_99 = arith.constant 352 : i32
    %add3A_100 = arith.addi %mul3A_32, %add3A_99 : i32
    %dma_start3A_101 = arith.constant 0 : i32
    %dma_start3A_102 = tpu.memref_slice %arg3[%add3A_100, %dma_start3A_101] : memref<16384x1024xf32, #tpu.memory_space<hbm>> -> memref<32x1024xf32, #tpu.memory_space<hbm>>
    %dma_start3A_103 = arith.constant 0 : i32
    %dma_start3A_104 = tpu.memref_slice %arg3[%add3A_100, %dma_start3A_103] : memref<16384x1024xf32, #tpu.memory_space<hbm>> -> memref<32x1024xf32, #tpu.memory_space<hbm>>
    tpu.enqueue_dma source(%arg5 : memref<32x1024xf32, #tpu.memory_space<vmem>>) target(%dma_start3A_104 : memref<32x1024xf32, #tpu.memory_space<hbm>>) target_semaphore(%arg9 : memref<!tpu.dma_semaphore, #tpu.memory_space<semaphore_mem>>)
    %add3A_105 = arith.constant 384 : i32
    %add3A_106 = arith.addi %mul3A_32, %add3A_105 : i32
    %dma_start3A_107 = arith.constant 0 : i32
    %dma_start3A_108 = tpu.memref_slice %arg3[%add3A_106, %dma_start3A_107] : memref<16384x1024xf32, #tpu.memory_space<hbm>> -> memref<32x1024xf32, #tpu.memory_space<hbm>>
    %dma_start3A_109 = arith.constant 0 : i32
    %dma_start3A_110 = tpu.memref_slice %arg3[%add3A_106, %dma_start3A_109] : memref<16384x1024xf32, #tpu.memory_space<hbm>> -> memref<32x1024xf32, #tpu.memory_space<hbm>>
    tpu.enqueue_dma source(%arg5 : memref<32x1024xf32, #tpu.memory_space<vmem>>) target(%dma_start3A_110 : memref<32x1024xf32, #tpu.memory_space<hbm>>) target_semaphore(%arg9 : memref<!tpu.dma_semaphore, #tpu.memory_space<semaphore_mem>>)
    %add3A_111 = arith.constant 416 : i32
    %add3A_112 = arith.addi %mul3A_32, %add3A_111 : i32
    %dma_start3A_113 = arith.constant 0 : i32
    %dma_start3A_114 = tpu.memref_slice %arg3[%add3A_112, %dma_start3A_113] : memref<16384x1024xf32, #tpu.memory_space<hbm>> -> memref<32x1024xf32, #tpu.memory_space<hbm>>
    %dma_start3A_115 = arith.constant 0 : i32
    %dma_start3A_116 = tpu.memref_slice %arg3[%add3A_112, %dma_start3A_115] : memref<16384x1024xf32, #tpu.memory_space<hbm>> -> memref<32x1024xf32, #tpu.memory_space<hbm>>
    tpu.enqueue_dma source(%arg5 : memref<32x1024xf32, #tpu.memory_space<vmem>>) target(%dma_start3A_116 : memref<32x1024xf32, #tpu.memory_space<hbm>>) target_semaphore(%arg9 : memref<!tpu.dma_semaphore, #tpu.memory_space<semaphore_mem>>)
    %add3A_117 = arith.constant 448 : i32
    %add3A_118 = arith.addi %mul3A_32, %add3A_117 : i32
    %dma_start3A_119 = arith.constant 0 : i32
    %dma_start3A_120 = arith.constant 0 : i32
    %dma_start3A_121 = tpu.memref_slice %arg5[%dma_start3A_119, %dma_start3A_120] : memref<32x1024xf32, #tpu.memory_space<vmem>> -> memref<8x1024xf32, #tpu.memory_space<vmem>>
    %dma_start3A_122 = arith.constant 0 : i32
    %dma_start3A_123 = tpu.memref_slice %arg3[%add3A_118, %dma_start3A_122] : memref<16384x1024xf32, #tpu.memory_space<hbm>> -> memref<8x1024xf32, #tpu.memory_space<hbm>>
    %dma_start3A_124 = arith.constant 0 : i32
    %dma_start3A_125 = tpu.memref_slice %arg3[%add3A_118, %dma_start3A_124] : memref<16384x1024xf32, #tpu.memory_space<hbm>> -> memref<8x1024xf32, #tpu.memory_space<hbm>>
    %dma_start3A_126 = arith.constant 0 : i32
    %dma_start3A_127 = arith.constant 0 : i32
    %dma_start3A_128 = tpu.memref_slice %arg5[%dma_start3A_126, %dma_start3A_127] : memref<32x1024xf32, #tpu.memory_space<vmem>> -> memref<8x1024xf32, #tpu.memory_space<vmem>>
    tpu.enqueue_dma source(%dma_start3A_128 : memref<8x1024xf32, #tpu.memory_space<vmem>>) target(%dma_start3A_125 : memref<8x1024xf32, #tpu.memory_space<hbm>>) target_semaphore(%arg9 : memref<!tpu.dma_semaphore, #tpu.memory_space<semaphore_mem>>)
    %mul3A_129 = arith.constant 8 : i32
    %mul3A_130 = arith.muli %add3A, %mul3A_129 : i32
    %add3A_131 = arith.constant 14592 : i32
    %add3A_132 = arith.addi %add3A_131, %mul3A_130 : i32
    %lt3A_133 = arith.constant 19 : i32
    %lt3A_134 = arith.cmpi slt, %add3A, %lt3A_133 : i32
    %convert_element_type3A_135 = arith.extui %lt3A_134 : i1 to i32
    %cond3A_136 = arith.constant 0 : i32
    %cond3A_137 = arith.cmpi ne, %convert_element_type3A_135, %cond3A_136 : i32
    scf.if %cond3A_137 {
      %dma_start3A_248 = arith.constant 0 : i32
      %dma_start3A_249 = arith.constant 0 : i32
      %dma_start3A_250 = tpu.memref_slice %arg5[%dma_start3A_248, %dma_start3A_249] : memref<32x1024xf32, #tpu.memory_space<vmem>> -> memref<8x1024xf32, #tpu.memory_space<vmem>>
      %dma_start3A_251 = arith.constant 0 : i32
      %dma_start3A_252 = tpu.memref_slice %arg3[%add3A_132, %dma_start3A_251] : memref<16384x1024xf32, #tpu.memory_space<hbm>> -> memref<8x1024xf32, #tpu.memory_space<hbm>>
      %dma_start3A_253 = arith.constant 0 : i32
      %dma_start3A_254 = tpu.memref_slice %arg3[%add3A_132, %dma_start3A_253] : memref<16384x1024xf32, #tpu.memory_space<hbm>> -> memref<8x1024xf32, #tpu.memory_space<hbm>>
      %dma_start3A_255 = arith.constant 0 : i32
      %dma_start3A_256 = arith.constant 0 : i32
      %dma_start3A_257 = tpu.memref_slice %arg5[%dma_start3A_255, %dma_start3A_256] : memref<32x1024xf32, #tpu.memory_space<vmem>> -> memref<8x1024xf32, #tpu.memory_space<vmem>>
      tpu.enqueue_dma source(%dma_start3A_257 : memref<8x1024xf32, #tpu.memory_space<vmem>>) target(%dma_start3A_254 : memref<8x1024xf32, #tpu.memory_space<hbm>>) target_semaphore(%arg9 : memref<!tpu.dma_semaphore, #tpu.memory_space<semaphore_mem>>)
      %dma_wait3A_258 = arith.constant 0 : i32
      %dma_wait3A_259 = arith.constant 0 : i32
      %dma_wait3A_260 = tpu.memref_slice %arg5[%dma_wait3A_258, %dma_wait3A_259] : memref<32x1024xf32, #tpu.memory_space<vmem>> -> memref<8x1024xf32, #tpu.memory_space<vmem>>
      %dma_wait3A_261 = arith.constant 0 : i32
      %dma_wait3A_262 = tpu.memref_slice %arg3[%add3A_132, %dma_wait3A_261] : memref<16384x1024xf32, #tpu.memory_space<hbm>> -> memref<8x1024xf32, #tpu.memory_space<hbm>>
      %dma_wait3A_263 = arith.constant 0 : i32
      %dma_wait3A_264 = tpu.memref_slice %arg3[%add3A_132, %dma_wait3A_263] : memref<16384x1024xf32, #tpu.memory_space<hbm>> -> memref<8x1024xf32, #tpu.memory_space<hbm>>
      %dma_wait3A_265 = arith.constant 0 : i32
      %dma_wait3A_266 = arith.constant 0 : i32
      %dma_wait3A_267 = tpu.memref_slice %arg5[%dma_wait3A_265, %dma_wait3A_266] : memref<32x1024xf32, #tpu.memory_space<vmem>> -> memref<8x1024xf32, #tpu.memory_space<vmem>>
      tpu.wait_dma2 semaphore(%arg9 : memref<!tpu.dma_semaphore, #tpu.memory_space<semaphore_mem>>) src(%dma_wait3A_267 : memref<8x1024xf32, #tpu.memory_space<vmem>>) dst(%dma_wait3A_264 : memref<8x1024xf32, #tpu.memory_space<hbm>>)
    } else {
    }
    %dma_wait3A = arith.constant 0 : i32
    %dma_wait3A_138 = arith.constant 0 : i32
    %dma_wait3A_139 = tpu.memref_slice %arg6[%dma_wait3A, %dma_wait3A_138] : memref<56x1024xf32, #tpu.memory_space<vmem>> -> memref<48x1024xf32, #tpu.memory_space<vmem>>
    %dma_wait3A_140 = arith.constant 0 : i32
    %dma_wait3A_141 = tpu.memref_slice %arg2[%add3A_8, %dma_wait3A_140] : memref<16384x1024xf32, #tpu.memory_space<hbm>> -> memref<48x1024xf32, #tpu.memory_space<hbm>>
    %dma_wait3A_142 = arith.constant 0 : i32
    %dma_wait3A_143 = arith.constant 0 : i32
    %dma_wait3A_144 = tpu.memref_slice %arg6[%dma_wait3A_142, %dma_wait3A_143] : memref<56x1024xf32, #tpu.memory_space<vmem>> -> memref<48x1024xf32, #tpu.memory_space<vmem>>
    %dma_wait3A_145 = arith.constant 0 : i32
    %dma_wait3A_146 = tpu.memref_slice %arg2[%add3A_8, %dma_wait3A_145] : memref<16384x1024xf32, #tpu.memory_space<hbm>> -> memref<48x1024xf32, #tpu.memory_space<hbm>>
    tpu.wait_dma2 semaphore(%arg10 : memref<!tpu.dma_semaphore, #tpu.memory_space<semaphore_mem>>) src(%dma_wait3A_146 : memref<48x1024xf32, #tpu.memory_space<hbm>>) dst(%dma_wait3A_144 : memref<48x1024xf32, #tpu.memory_space<vmem>>)
    %dma_start3A_147 = arith.constant 0 : i32
    %dma_start3A_148 = arith.constant 0 : i32
    %dma_start3A_149 = tpu.memref_slice %arg6[%dma_start3A_147, %dma_start3A_148] : memref<56x1024xf32, #tpu.memory_space<vmem>> -> memref<48x1024xf32, #tpu.memory_space<vmem>>
    %dma_start3A_150 = arith.constant 0 : i32
    %dma_start3A_151 = tpu.memref_slice %arg3[%add3A_8, %dma_start3A_150] : memref<16384x1024xf32, #tpu.memory_space<hbm>> -> memref<48x1024xf32, #tpu.memory_space<hbm>>
    %dma_start3A_152 = arith.constant 0 : i32
    %dma_start3A_153 = tpu.memref_slice %arg3[%add3A_8, %dma_start3A_152] : memref<16384x1024xf32, #tpu.memory_space<hbm>> -> memref<48x1024xf32, #tpu.memory_space<hbm>>
    %dma_start3A_154 = arith.constant 0 : i32
    %dma_start3A_155 = arith.constant 0 : i32
    %dma_start3A_156 = tpu.memref_slice %arg6[%dma_start3A_154, %dma_start3A_155] : memref<56x1024xf32, #tpu.memory_space<vmem>> -> memref<48x1024xf32, #tpu.memory_space<vmem>>
    tpu.enqueue_dma source(%dma_start3A_156 : memref<48x1024xf32, #tpu.memory_space<vmem>>) target(%dma_start3A_153 : memref<48x1024xf32, #tpu.memory_space<hbm>>) target_semaphore(%arg11 : memref<!tpu.dma_semaphore, #tpu.memory_space<semaphore_mem>>)
    %lt3A_157 = arith.constant 12 : i32
    %lt3A_158 = arith.cmpi slt, %add3A, %lt3A_157 : i32
    %convert_element_type3A_159 = arith.extui %lt3A_158 : i1 to i32
    %cond3A_160 = arith.constant 0 : i32
    %cond3A_161 = arith.cmpi ne, %convert_element_type3A_159, %cond3A_160 : i32
    scf.if %cond3A_161 {
      %dma_wait3A_248 = arith.constant 48 : i32
      %dma_wait3A_249 = arith.constant 0 : i32
      %dma_wait3A_250 = tpu.memref_slice %arg6[%dma_wait3A_248, %dma_wait3A_249] : memref<56x1024xf32, #tpu.memory_space<vmem>> -> memref<8x1024xf32, #tpu.memory_space<vmem>>
      %dma_wait3A_251 = arith.constant 0 : i32
      %dma_wait3A_252 = tpu.memref_slice %arg2[%add3A_19, %dma_wait3A_251] : memref<16384x1024xf32, #tpu.memory_space<hbm>> -> memref<8x1024xf32, #tpu.memory_space<hbm>>
      %dma_wait3A_253 = arith.constant 48 : i32
      %dma_wait3A_254 = arith.constant 0 : i32
      %dma_wait3A_255 = tpu.memref_slice %arg6[%dma_wait3A_253, %dma_wait3A_254] : memref<56x1024xf32, #tpu.memory_space<vmem>> -> memref<8x1024xf32, #tpu.memory_space<vmem>>
      %dma_wait3A_256 = arith.constant 0 : i32
      %dma_wait3A_257 = tpu.memref_slice %arg2[%add3A_19, %dma_wait3A_256] : memref<16384x1024xf32, #tpu.memory_space<hbm>> -> memref<8x1024xf32, #tpu.memory_space<hbm>>
      tpu.wait_dma2 semaphore(%arg10 : memref<!tpu.dma_semaphore, #tpu.memory_space<semaphore_mem>>) src(%dma_wait3A_257 : memref<8x1024xf32, #tpu.memory_space<hbm>>) dst(%dma_wait3A_255 : memref<8x1024xf32, #tpu.memory_space<vmem>>)
      %dma_start3A_258 = arith.constant 48 : i32
      %dma_start3A_259 = arith.constant 0 : i32
      %dma_start3A_260 = tpu.memref_slice %arg6[%dma_start3A_258, %dma_start3A_259] : memref<56x1024xf32, #tpu.memory_space<vmem>> -> memref<8x1024xf32, #tpu.memory_space<vmem>>
      %dma_start3A_261 = arith.constant 0 : i32
      %dma_start3A_262 = tpu.memref_slice %arg3[%add3A_19, %dma_start3A_261] : memref<16384x1024xf32, #tpu.memory_space<hbm>> -> memref<8x1024xf32, #tpu.memory_space<hbm>>
      %dma_start3A_263 = arith.constant 0 : i32
      %dma_start3A_264 = tpu.memref_slice %arg3[%add3A_19, %dma_start3A_263] : memref<16384x1024xf32, #tpu.memory_space<hbm>> -> memref<8x1024xf32, #tpu.memory_space<hbm>>
      %dma_start3A_265 = arith.constant 48 : i32
      %dma_start3A_266 = arith.constant 0 : i32
      %dma_start3A_267 = tpu.memref_slice %arg6[%dma_start3A_265, %dma_start3A_266] : memref<56x1024xf32, #tpu.memory_space<vmem>> -> memref<8x1024xf32, #tpu.memory_space<vmem>>
      tpu.enqueue_dma source(%dma_start3A_267 : memref<8x1024xf32, #tpu.memory_space<vmem>>) target(%dma_start3A_264 : memref<8x1024xf32, #tpu.memory_space<hbm>>) target_semaphore(%arg11 : memref<!tpu.dma_semaphore, #tpu.memory_space<semaphore_mem>>)
      %dma_wait3A_268 = arith.constant 48 : i32
      %dma_wait3A_269 = arith.constant 0 : i32
      %dma_wait3A_270 = tpu.memref_slice %arg6[%dma_wait3A_268, %dma_wait3A_269] : memref<56x1024xf32, #tpu.memory_space<vmem>> -> memref<8x1024xf32, #tpu.memory_space<vmem>>
      %dma_wait3A_271 = arith.constant 0 : i32
      %dma_wait3A_272 = tpu.memref_slice %arg3[%add3A_19, %dma_wait3A_271] : memref<16384x1024xf32, #tpu.memory_space<hbm>> -> memref<8x1024xf32, #tpu.memory_space<hbm>>
      %dma_wait3A_273 = arith.constant 0 : i32
      %dma_wait3A_274 = tpu.memref_slice %arg3[%add3A_19, %dma_wait3A_273] : memref<16384x1024xf32, #tpu.memory_space<hbm>> -> memref<8x1024xf32, #tpu.memory_space<hbm>>
      %dma_wait3A_275 = arith.constant 48 : i32
      %dma_wait3A_276 = arith.constant 0 : i32
      %dma_wait3A_277 = tpu.memref_slice %arg6[%dma_wait3A_275, %dma_wait3A_276] : memref<56x1024xf32, #tpu.memory_space<vmem>> -> memref<8x1024xf32, #tpu.memory_space<vmem>>
      tpu.wait_dma2 semaphore(%arg11 : memref<!tpu.dma_semaphore, #tpu.memory_space<semaphore_mem>>) src(%dma_wait3A_277 : memref<8x1024xf32, #tpu.memory_space<vmem>>) dst(%dma_wait3A_274 : memref<8x1024xf32, #tpu.memory_space<hbm>>)
    } else {
    }
    %eq3A_162 = arith.constant 31 : i32
    %eq3A_163 = arith.cmpi eq, %add3A, %eq3A_162 : i32
    %convert_element_type3A_164 = arith.extui %eq3A_163 : i1 to i32
    %cond3A_165 = arith.constant 0 : i32
    %cond3A_166 = arith.cmpi ne, %convert_element_type3A_164, %cond3A_165 : i32
    scf.if %cond3A_166 {
      %dma_wait3A_248 = arith.constant 14744 : i32
      %dma_wait3A_249 = arith.constant 0 : i32
      %dma_wait3A_250 = tpu.memref_slice %arg2[%dma_wait3A_248, %dma_wait3A_249] : memref<16384x1024xf32, #tpu.memory_space<hbm>> -> memref<8x1024xf32, #tpu.memory_space<hbm>>
      %dma_wait3A_251 = arith.constant 14744 : i32
      %dma_wait3A_252 = arith.constant 0 : i32
      %dma_wait3A_253 = tpu.memref_slice %arg2[%dma_wait3A_251, %dma_wait3A_252] : memref<16384x1024xf32, #tpu.memory_space<hbm>> -> memref<8x1024xf32, #tpu.memory_space<hbm>>
      tpu.wait_dma2 semaphore(%arg10 : memref<!tpu.dma_semaphore, #tpu.memory_space<semaphore_mem>>) src(%dma_wait3A_253 : memref<8x1024xf32, #tpu.memory_space<hbm>>) dst(%arg7 : memref<8x1024xf32, #tpu.memory_space<vmem>>)
      %scan3A_254 = arith.constant 0 : i32
      %scan3A_255 = arith.constant 0 : i32
      %scan3A_256 = arith.constant 64 : i32
      %scan3A_257 = arith.addi %scan3A_255, %scan3A_256 : i32
      %scan3A_258 = arith.constant 1 : i32
      scf.for %scan3A_272 = %scan3A_255 to %scan3A_257 step %scan3A_258  : i32 {
        %broadcast_in_dim3A = arith.constant 0.000000e+00 : f32
        %broadcast_in_dim3A_273 = vector.broadcast %broadcast_in_dim3A : f32 to vector<16xf32>
        %mul3A_274 = arith.constant 16 : i32
        %mul3A_275 = arith.muli %scan3A_272, %mul3A_274 : i32
        %swap3A = arith.constant 0 : i32
        %swap3A_276 = arith.index_cast %swap3A : i32 to index
        %swap3A_277 = arith.index_cast %mul3A_275 : i32 to index
        %swap3A_278 = tpu.vector_load %arg7[%swap3A_276, %swap3A_277] {strides = array<i32>} : memref<8x1024xf32, #tpu.memory_space<vmem>>, vector<1x16xf32>,
        %swap3A_279 = vector.shape_cast %swap3A_278 : vector<1x16xf32> to vector<16xf32>
        %swap3A_280 = vector.shape_cast %broadcast_in_dim3A_273 : vector<16xf32> to vector<1x16xf32>
        tpu.vector_store %arg7[%swap3A_276, %swap3A_277], %swap3A_280 {strides = array<i32>} : memref<8x1024xf32, #tpu.memory_space<vmem>>, vector<1x16xf32>,
      }
      %scan3A_259 = arith.constant 64 : i32
      %dma_start3A_260 = arith.constant 14744 : i32
      %dma_start3A_261 = arith.constant 0 : i32
      %dma_start3A_262 = tpu.memref_slice %arg3[%dma_start3A_260, %dma_start3A_261] : memref<16384x1024xf32, #tpu.memory_space<hbm>> -> memref<8x1024xf32, #tpu.memory_space<hbm>>
      %dma_start3A_263 = arith.constant 14744 : i32
      %dma_start3A_264 = arith.constant 0 : i32
      %dma_start3A_265 = tpu.memref_slice %arg3[%dma_start3A_263, %dma_start3A_264] : memref<16384x1024xf32, #tpu.memory_space<hbm>> -> memref<8x1024xf32, #tpu.memory_space<hbm>>
      tpu.enqueue_dma source(%arg7 : memref<8x1024xf32, #tpu.memory_space<vmem>>) target(%dma_start3A_265 : memref<8x1024xf32, #tpu.memory_space<hbm>>) target_semaphore(%arg11 : memref<!tpu.dma_semaphore, #tpu.memory_space<semaphore_mem>>)
      %dma_wait3A_266 = arith.constant 14744 : i32
      %dma_wait3A_267 = arith.constant 0 : i32
      %dma_wait3A_268 = tpu.memref_slice %arg3[%dma_wait3A_266, %dma_wait3A_267] : memref<16384x1024xf32, #tpu.memory_space<hbm>> -> memref<8x1024xf32, #tpu.memory_space<hbm>>
      %dma_wait3A_269 = arith.constant 14744 : i32
      %dma_wait3A_270 = arith.constant 0 : i32
      %dma_wait3A_271 = tpu.memref_slice %arg3[%dma_wait3A_269, %dma_wait3A_270] : memref<16384x1024xf32, #tpu.memory_space<hbm>> -> memref<8x1024xf32, #tpu.memory_space<hbm>>
      tpu.wait_dma2 semaphore(%arg11 : memref<!tpu.dma_semaphore, #tpu.memory_space<semaphore_mem>>) src(%arg7 : memref<8x1024xf32, #tpu.memory_space<vmem>>) dst(%dma_wait3A_271 : memref<8x1024xf32, #tpu.memory_space<hbm>>)
    } else {
    }
    %eq3A_167 = arith.constant 0 : i32
    %eq3A_168 = arith.cmpi eq, %add3A, %eq3A_167 : i32
    %convert_element_type3A_169 = arith.extui %eq3A_168 : i1 to i32
    %cond3A_170 = arith.constant 0 : i32
    %cond3A_171 = arith.cmpi ne, %convert_element_type3A_169, %cond3A_170 : i32
    scf.if %cond3A_171 {
      %broadcast_in_dim3A = arith.constant 14745 : i32
      %broadcast_in_dim3A_248 = vector.broadcast %broadcast_in_dim3A : i32 to vector<16xi32>
      %swap3A = arith.constant 0 : index
      %swap3A_249 = tpu.vector_load %arg8[%swap3A] {strides = array<i32>} : memref<16xi32, #tpu.memory_space<vmem>>, vector<16xi32>,
      %swap3A_250 = vector.shape_cast %swap3A_249 : vector<16xi32> to vector<16xi32>
      %swap3A_251 = vector.shape_cast %broadcast_in_dim3A_248 : vector<16xi32> to vector<16xi32>
      tpu.vector_store %arg8[%swap3A], %swap3A_251 {strides = array<i32>} : memref<16xi32, #tpu.memory_space<vmem>>, vector<16xi32>,
      "tpu.region"() ({
        %run_scoped3A = tpu.sem_alloc : memref<!tpu.dma_semaphore, #tpu.memory_space<semaphore_mem>>
        tpu.enqueue_dma source(%arg8 : memref<16xi32, #tpu.memory_space<vmem>>) target(%arg4 : memref<16xi32, #tpu.memory_space<hbm>>) target_semaphore(%run_scoped3A : memref<!tpu.dma_semaphore, #tpu.memory_space<semaphore_mem>>)
        tpu.wait_dma2 semaphore(%run_scoped3A : memref<!tpu.dma_semaphore, #tpu.memory_space<semaphore_mem>>) src(%arg8 : memref<16xi32, #tpu.memory_space<vmem>>) dst(%arg4 : memref<16xi32, #tpu.memory_space<hbm>>)
        tpu.yield
      }) : () -> ()
    } else {
    }
    %dma_wait3A_172 = arith.constant 0 : i32
    %dma_wait3A_173 = tpu.memref_slice %arg3[%add3A_34, %dma_wait3A_172] : memref<16384x1024xf32, #tpu.memory_space<hbm>> -> memref<32x1024xf32, #tpu.memory_space<hbm>>
    %dma_wait3A_174 = arith.constant 0 : i32
    %dma_wait3A_175 = tpu.memref_slice %arg3[%add3A_34, %dma_wait3A_174] : memref<16384x1024xf32, #tpu.memory_space<hbm>> -> memref<32x1024xf32, #tpu.memory_space<hbm>>
    tpu.wait_dma2 semaphore(%arg9 : memref<!tpu.dma_semaphore, #tpu.memory_space<semaphore_mem>>) src(%arg5 : memref<32x1024xf32, #tpu.memory_space<vmem>>) dst(%dma_wait3A_175 : memref<32x1024xf32, #tpu.memory_space<hbm>>)
    %dma_wait3A_176 = arith.constant 0 : i32
    %dma_wait3A_177 = tpu.memref_slice %arg3[%add3A_40, %dma_wait3A_176] : memref<16384x1024xf32, #tpu.memory_space<hbm>> -> memref<32x1024xf32, #tpu.memory_space<hbm>>
    %dma_wait3A_178 = arith.constant 0 : i32
    %dma_wait3A_179 = tpu.memref_slice %arg3[%add3A_40, %dma_wait3A_178] : memref<16384x1024xf32, #tpu.memory_space<hbm>> -> memref<32x1024xf32, #tpu.memory_space<hbm>>
    tpu.wait_dma2 semaphore(%arg9 : memref<!tpu.dma_semaphore, #tpu.memory_space<semaphore_mem>>) src(%arg5 : memref<32x1024xf32, #tpu.memory_space<vmem>>) dst(%dma_wait3A_179 : memref<32x1024xf32, #tpu.memory_space<hbm>>)
    %dma_wait3A_180 = arith.constant 0 : i32
    %dma_wait3A_181 = tpu.memref_slice %arg3[%add3A_46, %dma_wait3A_180] : memref<16384x1024xf32, #tpu.memory_space<hbm>> -> memref<32x1024xf32, #tpu.memory_space<hbm>>
    %dma_wait3A_182 = arith.constant 0 : i32
    %dma_wait3A_183 = tpu.memref_slice %arg3[%add3A_46, %dma_wait3A_182] : memref<16384x1024xf32, #tpu.memory_space<hbm>> -> memref<32x1024xf32, #tpu.memory_space<hbm>>
    tpu.wait_dma2 semaphore(%arg9 : memref<!tpu.dma_semaphore, #tpu.memory_space<semaphore_mem>>) src(%arg5 : memref<32x1024xf32, #tpu.memory_space<vmem>>) dst(%dma_wait3A_183 : memref<32x1024xf32, #tpu.memory_space<hbm>>)
    %dma_wait3A_184 = arith.constant 0 : i32
    %dma_wait3A_185 = tpu.memref_slice %arg3[%add3A_52, %dma_wait3A_184] : memref<16384x1024xf32, #tpu.memory_space<hbm>> -> memref<32x1024xf32, #tpu.memory_space<hbm>>
    %dma_wait3A_186 = arith.constant 0 : i32
    %dma_wait3A_187 = tpu.memref_slice %arg3[%add3A_52, %dma_wait3A_186] : memref<16384x1024xf32, #tpu.memory_space<hbm>> -> memref<32x1024xf32, #tpu.memory_space<hbm>>
    tpu.wait_dma2 semaphore(%arg9 : memref<!tpu.dma_semaphore, #tpu.memory_space<semaphore_mem>>) src(%arg5 : memref<32x1024xf32, #tpu.memory_space<vmem>>) dst(%dma_wait3A_187 : memref<32x1024xf32, #tpu.memory_space<hbm>>)
    %dma_wait3A_188 = arith.constant 0 : i32
    %dma_wait3A_189 = tpu.memref_slice %arg3[%add3A_58, %dma_wait3A_188] : memref<16384x1024xf32, #tpu.memory_space<hbm>> -> memref<32x1024xf32, #tpu.memory_space<hbm>>
    %dma_wait3A_190 = arith.constant 0 : i32
    %dma_wait3A_191 = tpu.memref_slice %arg3[%add3A_58, %dma_wait3A_190] : memref<16384x1024xf32, #tpu.memory_space<hbm>> -> memref<32x1024xf32, #tpu.memory_space<hbm>>
    tpu.wait_dma2 semaphore(%arg9 : memref<!tpu.dma_semaphore, #tpu.memory_space<semaphore_mem>>) src(%arg5 : memref<32x1024xf32, #tpu.memory_space<vmem>>) dst(%dma_wait3A_191 : memref<32x1024xf32, #tpu.memory_space<hbm>>)
    %dma_wait3A_192 = arith.constant 0 : i32
    %dma_wait3A_193 = tpu.memref_slice %arg3[%add3A_64, %dma_wait3A_192] : memref<16384x1024xf32, #tpu.memory_space<hbm>> -> memref<32x1024xf32, #tpu.memory_space<hbm>>
    %dma_wait3A_194 = arith.constant 0 : i32
    %dma_wait3A_195 = tpu.memref_slice %arg3[%add3A_64, %dma_wait3A_194] : memref<16384x1024xf32, #tpu.memory_space<hbm>> -> memref<32x1024xf32, #tpu.memory_space<hbm>>
    tpu.wait_dma2 semaphore(%arg9 : memref<!tpu.dma_semaphore, #tpu.memory_space<semaphore_mem>>) src(%arg5 : memref<32x1024xf32, #tpu.memory_space<vmem>>) dst(%dma_wait3A_195 : memref<32x1024xf32, #tpu.memory_space<hbm>>)
    %dma_wait3A_196 = arith.constant 0 : i32
    %dma_wait3A_197 = tpu.memref_slice %arg3[%add3A_70, %dma_wait3A_196] : memref<16384x1024xf32, #tpu.memory_space<hbm>> -> memref<32x1024xf32, #tpu.memory_space<hbm>>
    %dma_wait3A_198 = arith.constant 0 : i32
    %dma_wait3A_199 = tpu.memref_slice %arg3[%add3A_70, %dma_wait3A_198] : memref<16384x1024xf32, #tpu.memory_space<hbm>> -> memref<32x1024xf32, #tpu.memory_space<hbm>>
    tpu.wait_dma2 semaphore(%arg9 : memref<!tpu.dma_semaphore, #tpu.memory_space<semaphore_mem>>) src(%arg5 : memref<32x1024xf32, #tpu.memory_space<vmem>>) dst(%dma_wait3A_199 : memref<32x1024xf32, #tpu.memory_space<hbm>>)
    %dma_wait3A_200 = arith.constant 0 : i32
    %dma_wait3A_201 = tpu.memref_slice %arg3[%add3A_76, %dma_wait3A_200] : memref<16384x1024xf32, #tpu.memory_space<hbm>> -> memref<32x1024xf32, #tpu.memory_space<hbm>>
    %dma_wait3A_202 = arith.constant 0 : i32
    %dma_wait3A_203 = tpu.memref_slice %arg3[%add3A_76, %dma_wait3A_202] : memref<16384x1024xf32, #tpu.memory_space<hbm>> -> memref<32x1024xf32, #tpu.memory_space<hbm>>
    tpu.wait_dma2 semaphore(%arg9 : memref<!tpu.dma_semaphore, #tpu.memory_space<semaphore_mem>>) src(%arg5 : memref<32x1024xf32, #tpu.memory_space<vmem>>) dst(%dma_wait3A_203 : memref<32x1024xf32, #tpu.memory_space<hbm>>)
    %dma_wait3A_204 = arith.constant 0 : i32
    %dma_wait3A_205 = tpu.memref_slice %arg3[%add3A_82, %dma_wait3A_204] : memref<16384x1024xf32, #tpu.memory_space<hbm>> -> memref<32x1024xf32, #tpu.memory_space<hbm>>
    %dma_wait3A_206 = arith.constant 0 : i32
    %dma_wait3A_207 = tpu.memref_slice %arg3[%add3A_82, %dma_wait3A_206] : memref<16384x1024xf32, #tpu.memory_space<hbm>> -> memref<32x1024xf32, #tpu.memory_space<hbm>>
    tpu.wait_dma2 semaphore(%arg9 : memref<!tpu.dma_semaphore, #tpu.memory_space<semaphore_mem>>) src(%arg5 : memref<32x1024xf32, #tpu.memory_space<vmem>>) dst(%dma_wait3A_207 : memref<32x1024xf32, #tpu.memory_space<hbm>>)
    %dma_wait3A_208 = arith.constant 0 : i32
    %dma_wait3A_209 = tpu.memref_slice %arg3[%add3A_88, %dma_wait3A_208] : memref<16384x1024xf32, #tpu.memory_space<hbm>> -> memref<32x1024xf32, #tpu.memory_space<hbm>>
    %dma_wait3A_210 = arith.constant 0 : i32
    %dma_wait3A_211 = tpu.memref_slice %arg3[%add3A_88, %dma_wait3A_210] : memref<16384x1024xf32, #tpu.memory_space<hbm>> -> memref<32x1024xf32, #tpu.memory_space<hbm>>
    tpu.wait_dma2 semaphore(%arg9 : memref<!tpu.dma_semaphore, #tpu.memory_space<semaphore_mem>>) src(%arg5 : memref<32x1024xf32, #tpu.memory_space<vmem>>) dst(%dma_wait3A_211 : memref<32x1024xf32, #tpu.memory_space<hbm>>)
    %dma_wait3A_212 = arith.constant 0 : i32
    %dma_wait3A_213 = tpu.memref_slice %arg3[%add3A_94, %dma_wait3A_212] : memref<16384x1024xf32, #tpu.memory_space<hbm>> -> memref<32x1024xf32, #tpu.memory_space<hbm>>
    %dma_wait3A_214 = arith.constant 0 : i32
    %dma_wait3A_215 = tpu.memref_slice %arg3[%add3A_94, %dma_wait3A_214] : memref<16384x1024xf32, #tpu.memory_space<hbm>> -> memref<32x1024xf32, #tpu.memory_space<hbm>>
    tpu.wait_dma2 semaphore(%arg9 : memref<!tpu.dma_semaphore, #tpu.memory_space<semaphore_mem>>) src(%arg5 : memref<32x1024xf32, #tpu.memory_space<vmem>>) dst(%dma_wait3A_215 : memref<32x1024xf32, #tpu.memory_space<hbm>>)
    %dma_wait3A_216 = arith.constant 0 : i32
    %dma_wait3A_217 = tpu.memref_slice %arg3[%add3A_100, %dma_wait3A_216] : memref<16384x1024xf32, #tpu.memory_space<hbm>> -> memref<32x1024xf32, #tpu.memory_space<hbm>>
    %dma_wait3A_218 = arith.constant 0 : i32
    %dma_wait3A_219 = tpu.memref_slice %arg3[%add3A_100, %dma_wait3A_218] : memref<16384x1024xf32, #tpu.memory_space<hbm>> -> memref<32x1024xf32, #tpu.memory_space<hbm>>
    tpu.wait_dma2 semaphore(%arg9 : memref<!tpu.dma_semaphore, #tpu.memory_space<semaphore_mem>>) src(%arg5 : memref<32x1024xf32, #tpu.memory_space<vmem>>) dst(%dma_wait3A_219 : memref<32x1024xf32, #tpu.memory_space<hbm>>)
    %dma_wait3A_220 = arith.constant 0 : i32
    %dma_wait3A_221 = tpu.memref_slice %arg3[%add3A_106, %dma_wait3A_220] : memref<16384x1024xf32, #tpu.memory_space<hbm>> -> memref<32x1024xf32, #tpu.memory_space<hbm>>
    %dma_wait3A_222 = arith.constant 0 : i32
    %dma_wait3A_223 = tpu.memref_slice %arg3[%add3A_106, %dma_wait3A_222] : memref<16384x1024xf32, #tpu.memory_space<hbm>> -> memref<32x1024xf32, #tpu.memory_space<hbm>>
    tpu.wait_dma2 semaphore(%arg9 : memref<!tpu.dma_semaphore, #tpu.memory_space<semaphore_mem>>) src(%arg5 : memref<32x1024xf32, #tpu.memory_space<vmem>>) dst(%dma_wait3A_223 : memref<32x1024xf32, #tpu.memory_space<hbm>>)
    %dma_wait3A_224 = arith.constant 0 : i32
    %dma_wait3A_225 = tpu.memref_slice %arg3[%add3A_112, %dma_wait3A_224] : memref<16384x1024xf32, #tpu.memory_space<hbm>> -> memref<32x1024xf32, #tpu.memory_space<hbm>>
    %dma_wait3A_226 = arith.constant 0 : i32
    %dma_wait3A_227 = tpu.memref_slice %arg3[%add3A_112, %dma_wait3A_226] : memref<16384x1024xf32, #tpu.memory_space<hbm>> -> memref<32x1024xf32, #tpu.memory_space<hbm>>
    tpu.wait_dma2 semaphore(%arg9 : memref<!tpu.dma_semaphore, #tpu.memory_space<semaphore_mem>>) src(%arg5 : memref<32x1024xf32, #tpu.memory_space<vmem>>) dst(%dma_wait3A_227 : memref<32x1024xf32, #tpu.memory_space<hbm>>)
    %dma_wait3A_228 = arith.constant 0 : i32
    %dma_wait3A_229 = arith.constant 0 : i32
    %dma_wait3A_230 = tpu.memref_slice %arg5[%dma_wait3A_228, %dma_wait3A_229] : memref<32x1024xf32, #tpu.memory_space<vmem>> -> memref<8x1024xf32, #tpu.memory_space<vmem>>
    %dma_wait3A_231 = arith.constant 0 : i32
    %dma_wait3A_232 = tpu.memref_slice %arg3[%add3A_118, %dma_wait3A_231] : memref<16384x1024xf32, #tpu.memory_space<hbm>> -> memref<8x1024xf32, #tpu.memory_space<hbm>>
    %dma_wait3A_233 = arith.constant 0 : i32
    %dma_wait3A_234 = tpu.memref_slice %arg3[%add3A_118, %dma_wait3A_233] : memref<16384x1024xf32, #tpu.memory_space<hbm>> -> memref<8x1024xf32, #tpu.memory_space<hbm>>
    %dma_wait3A_235 = arith.constant 0 : i32
    %dma_wait3A_236 = arith.constant 0 : i32
    %dma_wait3A_237 = tpu.memref_slice %arg5[%dma_wait3A_235, %dma_wait3A_236] : memref<32x1024xf32, #tpu.memory_space<vmem>> -> memref<8x1024xf32, #tpu.memory_space<vmem>>
    tpu.wait_dma2 semaphore(%arg9 : memref<!tpu.dma_semaphore, #tpu.memory_space<semaphore_mem>>) src(%dma_wait3A_237 : memref<8x1024xf32, #tpu.memory_space<vmem>>) dst(%dma_wait3A_234 : memref<8x1024xf32, #tpu.memory_space<hbm>>)
    %dma_wait3A_238 = arith.constant 0 : i32
    %dma_wait3A_239 = arith.constant 0 : i32
    %dma_wait3A_240 = tpu.memref_slice %arg6[%dma_wait3A_238, %dma_wait3A_239] : memref<56x1024xf32, #tpu.memory_space<vmem>> -> memref<48x1024xf32, #tpu.memory_space<vmem>>
    %dma_wait3A_241 = arith.constant 0 : i32
    %dma_wait3A_242 = tpu.memref_slice %arg3[%add3A_8, %dma_wait3A_241] : memref<16384x1024xf32, #tpu.memory_space<hbm>> -> memref<48x1024xf32, #tpu.memory_space<hbm>>
    %dma_wait3A_243 = arith.constant 0 : i32
    %dma_wait3A_244 = tpu.memref_slice %arg3[%add3A_8, %dma_wait3A_243] : memref<16384x1024xf32, #tpu.memory_space<hbm>> -> memref<48x1024xf32, #tpu.memory_space<hbm>>
    %dma_wait3A_245 = arith.constant 0 : i32
    %dma_wait3A_246 = arith.constant 0 : i32
    %dma_wait3A_247 = tpu.memref_slice %arg6[%dma_wait3A_245, %dma_wait3A_246] : memref<56x1024xf32, #tpu.memory_space<vmem>> -> memref<48x1024xf32, #tpu.memory_space<vmem>>
    tpu.wait_dma2 semaphore(%arg11 : memref<!tpu.dma_semaphore, #tpu.memory_space<semaphore_mem>>) src(%dma_wait3A_247 : memref<48x1024xf32, #tpu.memory_space<vmem>>) dst(%dma_wait3A_244 : memref<48x1024xf32, #tpu.memory_space<hbm>>)
    return
  }
}

</mosaic_0001>

<sc_bundles>
// kernel: kernel.3.cloned.1.call-start
scs
__scs_entry_jumppad:
0x0: {  	(pc) =	sbr.rel $0x88, $3  }
0x1: {  	(tag) =	ssettag $0x0;
	lr =	simm.s32 $0x1  }
0x2: {  	[smem:$0x3FA0] =	sst lr;
	_ =	strace $0xD0000000  }
0x3: {  	_ = 	snop  }
0x4: {  	_ = 	snop  }
0x5: {  	_ = 	snop  }
0x6: {  	_ = 	snop  }
0x7: {  	_ = 	snop  }
__scs_overlays_trampoline_lowered:
0x8: {  	[smem:$0x3FAF] =	sst s0  }
0x9: {  	[smem:$0x3FB0] =	sst s1  }
0xa: {  	[smem:$0x3FB1] =	sst s2  }
0xb: {  	[smem:$0x3FB2] =	sst s3  }
0xc: {  	[smem:$0x3FB3] =	sst s4  }
0xd: {  	[smem:$0x3FB4] =	sst s5  }
0xe: {  	[smem:$0x3FB5] =	sst s6  }
0xf: {  	[smem:$0x3FB6] =	sst s7  }
0x10: {  	[smem:$0x3FB7] =	sst s8  }
0x11: {  	[smem:$0x3FB8] =	sst s9;
	s0 =	simm.s32 @!p0 $0x0  }
0x12: {  	s1 =	sld [smem:$0x3F9E];
	s0 =	simm.s32 @p0 $0x1  }
0x13: {  	[smem:$0x3FB9] =	sst s0;
	s0 =	simm.s32 @!p1 $0x0  }
0x14: {  	s2 =	sld [smem:$0x3F9D];
	s0 =	simm.s32 @p1 $0x1  }
0x15: {  	[smem:$0x3FBA] =	sst s0;
	s0 =	simm.s32 @!p2 $0x0  }
0x16: {  	s3 =	sld [smem:$0x3FDB];
	s0 =	simm.s32 @p2 $0x1  }
0x17: {  	s4 =	simm.s32 $0x1BF5;
	[smem:$0x3FBC] =	sst s0  }
0x18: {  	s0 =	sld [smem:$0x3F9F];
	_ =	swait.ge [sflag:s4], $0x0  }
0x19: {  	s7 =	sld [smem:$0x3FA0]  }
0x1a: {  	s8 =	sadd.s32 $0xFFFFE003, lr  }
0x1b: {  	s9 =	sadd.s32 $0xFFFFFEF7, lr;
	s5 =	simm.s32 $0xFFFFFFFF;
	p2 =	slt.u32 s8, $0xFFFFF086  }
0x1c: {  	p1 =	slt.u32 s9, $0xF7A;
	s5 =	simm.s32 @!p2 $0x0  }
0x1d: {  	s5 =	simm.s32 @p1 $0x1;
	p0 =	seq.s32 s7, s2  }
0x1e: {  	s7 =	smul.u32 @!p0 $0xF7A, s2;
	p2 =	seq.s32 @!p0 s5, $0x0  }
0x1f: {  	s9 =	smul.u32 $0xF7A, s1;
	s8 =	simm.s32 @!p0 $0x1BF5;
	p2 =	por !p2, p0  }
0x20: {  	[sflag:s8] =	ssyncset.s32 @!p0 $0xFFFFF086;
	s6 =	sadd.s32 @!p0 s3, s7;
	s7 =	simm.s32 @!p0 $0x108  }
0x21: {  	s3 =	sadd.s32 s3, s9;
	s6 =	sadd.s32 @!p0 $0x88, s6;
	s7 =	simm.s32 @p2 $0x1082  }
0x22: {  	[simem:s7], [sflag:s8] =	dma.local @!p0 [hbm:s6], $0xF7A  }
0x23: {  	s9 =	sor.u32 $0xD0000000, s2;
	s6 =	simm.s32 $0x108;
	_ =	swait.ge @!p0 [sflag:s8], $0x0  }
0x24: {  	s3 =	sadd.s32 $0x88, s3;
	s6 =	simm.s32 @!p1 $0x1082;
	[sflag:s4] =	ssyncset.s32 $0xFFFFF086  }
0x25: {  	[simem:s6], [sflag:s4] =	dma.local [hbm:s3], $0xF7A  }
0x26: {  	[smem:$0x3FA0] =	sst s1;
	(tag) =	ssettag s2;
	_ =	strace s9  }
0x27: {  	s1 =	sld [smem:$0x3FB0]  }
0x28: {  	s2 =	sld [smem:$0x3FB1]  }
0x29: {  	s4 =	sld [smem:$0x3FB3]  }
0x2a: {  	p0 =	seq.s32 s5, $0x0;
	s5 =	sld [smem:$0x3FB4]  }
0x2b: {  	s6 =	sld [smem:$0x3FB5]  }
0x2c: {  	s7 =	sld [smem:$0x3FB6]  }
0x2d: {  	s3 =	simm.s32 $0x108;
	s8 =	sld [smem:$0x3FB7]  }
0x2e: {  	s3 =	simm.s32 @!p0 $0x1082;
	s9 =	sld [smem:$0x3FB8]  }
0x2f: {  	lr =	sadd.s32 s0, s3;
	s0 =	sld [smem:$0x3FAF]  }
0x30: {  	s3 =	sld [smem:$0x3FB2]  }
0x31: {  	[smem:$0x3FBB] =	sst s10  }
0x32: {  	s10 =	sld [smem:$0x3FB9];
	_ =	sdelay $0x3  }
0x33: {  	p0 =	seq.s32 s10, $0x1;
	s10 =	sld [smem:$0x3FBB];
	_ =	sdelay $0x3  }
0x34: {  	[smem:$0x3FBB] =	sst s10  }
0x35: {  	s10 =	sld [smem:$0x3FBA];
	_ =	sdelay $0x3  }
0x36: {  	p1 =	seq.s32 s10, $0x1;
	s10 =	sld [smem:$0x3FBB];
	_ =	sdelay $0x3  }
0x37: {  	[smem:$0x3FBB] =	sst s10  }
0x38: {  	s10 =	sld [smem:$0x3FBC]  }
0x39: {  	_ = 	snop;
	(pc) =	sbr.ind lr, $3  }
0x3a: {  	_ = 	snop  }
0x3b: {  	_ = 	snop  }
0x3c: {  	p2 =	seq.s32 s10, $0x1;
	s10 =	sld [smem:$0x3FBB]  }
0x3d: {  	_ =	shalt  }
0x3e: {  	_ =	shalt  }
0x3f: {  	_ =	shalt  }
0x40: {  	_ =	shalt  }
0x41: {  	_ =	shalt  }
0x42: {  	_ =	shalt  }
0x43: {  	_ =	shalt  }
0x44: {  	_ =	shalt  }
0x45: {  	_ =	shalt  }
0x46: {  	_ =	shalt  }
0x47: {  	_ =	shalt  }
0x48: {  	_ =	shalt  }
0x49: {  	_ =	shalt  }
0x4a: {  	_ =	shalt  }
0x4b: {  	_ =	shalt  }
0x4c: {  	_ =	shalt  }
0x4d: {  	_ =	shalt  }
0x4e: {  	_ =	shalt  }
0x4f: {  	_ =	shalt  }
0x50: {  	_ =	shalt  }
0x51: {  	_ =	shalt  }
0x52: {  	_ =	shalt  }
0x53: {  	_ =	shalt  }
0x54: {  	_ =	shalt  }
0x55: {  	_ =	shalt  }
0x56: {  	_ =	shalt  }
0x57: {  	_ =	shalt  }
0x58: {  	_ =	shalt  }
0x59: {  	_ =	shalt  }
0x5a: {  	_ =	shalt  }
0x5b: {  	_ =	shalt  }
0x5c: {  	_ =	shalt  }
0x5d: {  	_ =	shalt  }
0x5e: {  	_ =	shalt  }
0x5f: {  	_ =	shalt  }
0x60: {  	_ =	shalt  }
0x61: {  	_ =	shalt  }
0x62: {  	_ =	shalt  }
0x63: {  	_ =	shalt  }
0x64: {  	_ =	shalt  }
0x65: {  	_ =	shalt  }
0x66: {  	_ =	shalt  }
0x67: {  	_ =	shalt  }
0x68: {  	_ =	shalt  }
0x69: {  	_ =	shalt  }
0x6a: {  	_ =	shalt  }
0x6b: {  	_ =	shalt  }
0x6c: {  	_ =	shalt  }
0x6d: {  	_ =	shalt  }
0x6e: {  	_ =	shalt  }
0x6f: {  	_ =	shalt  }
0x70: {  	_ =	shalt  }
0x71: {  	_ =	shalt  }
0x72: {  	_ =	shalt  }
0x73: {  	_ =	shalt  }
0x74: {  	_ =	shalt  }
0x75: {  	_ =	shalt  }
0x76: {  	_ =	shalt  }
0x77: {  	_ =	shalt  }
0x78: {  	_ =	shalt  }
0x79: {  	_ =	shalt  }
0x7a: {  	_ =	shalt  }
0x7b: {  	_ =	shalt  }
0x7c: {  	_ =	shalt  }
0x7d: {  	_ =	shalt  }
0x7e: {  	_ =	shalt  }
0x7f: {  	_ =	shalt  }
0x80: {  	_ =	shalt  }
0x81: {  	_ =	shalt  }
0x82: {  	_ =	shalt  }
0x83: {  	_ =	shalt  }
0x84: {  	_ =	shalt  }
0x85: {  	_ =	shalt  }
0x86: {  	_ =	shalt  }
0x87: {  	_ =	shalt  }
.Lfunc_end0:
.L_simem_size_0:
called_computation_lowered:
.L_overlay_start_0:
0x88: {  	s2 =	sld [smem:$0x3FD9]  }
0x89: {  	s3 =	sld [smem:$0x3FFE];
	_ =	sdelay $0x1  }
0x8a: {  	s1 =	srdreg.scid  }
0x8b: {  	s0 =	sand.u32 $0x1, s1  }
0x8c: {  	s15 =	sshll.u32 s0, $0xA;
	s2 =	sadd.s32 s3, s2  }
0x8d: {  	s2 =	sadd.s32 s2, s15  }
0x8e: {  	[smem:$0x3FC7] =	sst s2  }
0x8f: {  	_ = 	snop  }
0x90: {  	s2 =	sld [smem:$0x3FD0];
	_ =	sdelay $0x2  }
0x91: {  	s4 =	simm.s32 $0xA;
	s5 =	simm.s32 $0x10;
	s16 =	sld [smem:$0x3FC9]  }
0x92: {  	[smem:s5], [sflag:s4] =	dma.local [hbm:s2], $0x1  }
0x93: {  	_ =	swait.eq [sflag:s4], $0x1  }
0x94: {  	[sflag:s4] =	ssyncset.done $0x0  }
0x95: {  	s17 =	sld [smem:$0x10];
	[sflag:s4] =	ssyncadd.s32 $0xFFFFFFFF  }
0x96: {  	s18 =	sld [smem:$0x11];
	(tm) =	ssettm $0x1  }
0x97: {  	s19 =	sld [smem:$0x3FFB];
	_ =	sdelay $0x3  }
0x98: {  	_ =	strace s19  }
0x99: {  	s5 =	sld [smem:$0x3FFC];
	_ =	sdelay $0x3  }
0x9a: {  	_ =	strace s5  }
0x9b: {  	s5 =	sld [smem:$0x3FFD];
	_ =	sdelay $0x3  }
0x9c: {  	_ =	strace s5  }
0x9d: {  	_ =	strace $0x8FFFFFFF  }
0x9e: {  	s20 =	sld [smem:$0x3FDB];
	_ =	sdelay $0x1  }
0x9f: {  	s6 =	simm.s32 $_scs_section_size  }
0xa0: {  	s7 =	simm.s32 $_size__tile_overlayer_lowered;
	s8 =	simm.s32 $_tile_overlayer_lowered  }
0xa1: {  	s23 =	simm.s32 $0x1BFF;
	s22 =	sshll.u32 s8, $0x1;
	s5 =	sadd.s32 s6, s20  }
0xa2: {  	s9 =	simm.s32 $0x0;
	s21 =	sshll.u32 s7, $0x1;
	s7 =	sadd.s32 s22, s5  }
0xa3: {  	[timem:s9], [sflag:s23] =	dma.local [hbm:s7], s21  }
0xa4: {  	_ =	swait.ge [sflag:s23], s21  }
0xa5: {  	s6 =	ssub.s32 $0x0, s21;
	[sflag:s23] =	ssyncset.done $0x0  }
0xa6: {  	[sflag:s23] =	ssyncadd.s32 s6;
	_ =	sdelay $0x1  }
0xa7: {  	s24 =	simm.s32 $0x1B8B  }
0xa8: {  	_ =	swait.ge [sflag:s24], $0x1  }
0xa9: {  	[sflag:s24] =	ssyncset.done $0x0  }
0xaa: {  	s25 =	simm.s32 $0x1B8E;
	[sflag:s24] =	ssyncadd.s32 $0xFFFFFFFF  }
0xab: {  	s26 =	simm.s32 $execute0_lowered;
	[smem:$0x3FD2] =	sst s25  }
0xac: {  	s6 =	sshll.u32 s26, $0x1;
	_ =	strace $0x80000046;
	[dreg:$0x1] =	wrdreg $0xFFFFFFFF  }
0xad: {  	s28 =	simm.s32 $_size_execute0_lowered;
	s5 =	sadd.s32 s5, s6;
	[dreg:$0x0] =	wrdreg $0x0  }
0xae: {  	s6 =	sshll.u32 s28, $0x1;
	[dreg:$0x2] =	wrdreg s5  }
0xaf: {  	[dreg:$0x3] =	wrdreg s6  }
0xb0: {  	[dreg:$0x4] =	wrdreg $0xC0  }
0xb1: {  	_ =	task [dreg:s9], $0x5FFFF  }
0xb2: {  	[dreg:$0x1] =	wrdreg $0xFFFFFFFF  }
0xb3: {  	[dreg:$0x0] =	wrdreg $0x60  }
0xb4: {  	[dreg:$0x2] =	wrdreg s16  }
0xb5: {  	[dreg:$0x3] =	wrdreg s17  }
0xb6: {  	[dreg:$0x4] =	wrdreg s18  }
0xb7: {  	[dreg:$0x5] =	wrdreg $0x9  }
0xb8: {  	_ =	task.clear_ibuf [dreg:s9], $0x6FFFF;
	_ =	strace $0x90000046  }
0xb9: {  	s29 =	simm.s32 $0x9;
	_ =	strace $0x80000048  }
0xba: {  	_ =	swait.ge [sflag:s29], $0x1  }
0xbb: {  	[sflag:s29] =	ssyncadd.s32 $0xFFFFFFFF  }
0xbc: {  	_ =	strace $0x90000048  }
0xbd: {  	_ =	sfence  }
0xbe: {  	s30 =	sld [smem:$0x0];
	_ =	sdelay $0x2  }
0xbf: {  	s31 =	sshll.u32 s1, $0xD;
	s1 =	sshrl.u32 s1, $0x2  }
0xc0: {  	s3 =	sand.u32 $0x4000, s31;
	s1 =	sadd.s32 s1, s30  }
0xc1: {  	s0 =	sor.u32 s3, s0;
	s1 =	sshll.u32 s1, $0x11  }
0xc2: {  	s0 =	sor.u32 s1, s0  }
0xc3: {  	s0 =	sadd.s32 $0x8F2B, s0  }
0xc4: {  	[sflag:s0] =	ssyncadd.remote.s32 $0x1  }
0xc5: {  	_ =	sfence.sel $0xFFFF  }
0xc6: {  	[dreg:$0x0] =	wrdreg $0xFFFFFFFF;
	(pc) =	sbr.abs _section_cstart, $3  }
0xc7: {  	[dreg:$0x1] =	wrdreg $0xFFFFFFFF  }
0xc8: {  	_ =	task.clear_ibuf [dreg:s9], $0x2FFFF;
	_ =	strace $0x9FFFFFFF  }
0xc9: {  	(tm) =	ssettm $0x7FFFFFFF  }
tec
execute0_lowered:
.L_overlay_start_1:
0x0: {  	(tag) =	ssettag $0x1  }
0x1: {  	s0 =	rddreg [dreg:$0x0];
	s1 =	srdreg.scid  }
0x2: {  	s25 =	stileid.u32;
	s2 =	rddreg [dreg:$0x1];
	s28 =	simm.s32 $0x8000  }
0x3: {  	s29 =	simm.s32 $0x2;
	s1 =	sand.u32 $0x1, s1;
	s3 =	sshll.u32 s25, $0x1  }
0x4: {  	s30 =	simm.s32 $0x0;
	s31 =	sadd.s32 $0x1CCC00, s2;
	s4 =	sor.u32 s1, s3  }
0x5: {  	p3 =	sgt.u32 s25, $0x5;
	s3 =	simm.s32 $0x0;
	s5 =	smul.u32 $0x6, s4  }
0x6: {  	s1 =	ssub.s32 $0x2, s1;
	[smem:$0x7FF] =	sst s3;
	s18 =	smul.u32 $0x72000, s4  }
0x7: {  	s6 =	smin.u32 s4, $0xC;
	s7 =	sshrl.u32 s1, $0x1;
	s19 =	smul.u32 $0xE400, s4  }
0x8: {  	p0 =	sne.s32 s4, $0x1F;
	p1 =	sgt.u32 s4, $0x12;
	p2 =	seq.s32 s4, $0x0  }
0x9: {  	_ =	strace $0x80000047;
	s1 =	ssub.s32 s1, s7;
	s5 =	sadd.s32 s6, s5  }
0xa: {  	[dreg:$0x7] =	wrdreg s31;
	s8 =	sshrl.u32 s18, $0x3;
	s5 =	sshll.u32 s5, $0xA  }
0xb: {  	s7 =	sadd.s32 s2, s19;
	s22 =	sadd.s32 s2, s8;
	s23 =	sadd.s32 $0x1CD000, s5  }
0xc: {  	s24 =	sadd.s32 $0x1CE800, s5;
	s8 =	sadd.s32 $0x1000, s22;
	s9 =	sadd.s32 $0x2000, s22  }
0xd: {  	s10 =	sadd.s32 $0x3000, s22;
	s11 =	sadd.s32 $0x4000, s22;
	s12 =	sadd.s32 $0x5000, s22  }
0xe: {  	s13 =	sadd.s32 $0x6000, s22;
	s14 =	sadd.s32 $0x7000, s22;
	s15 =	sadd.s32 $0x8000, s22  }
0xf: {  	s16 =	sadd.s32 $0x9000, s22;
	s17 =	sadd.s32 $0xA000, s22;
	s18 =	sadd.s32 $0xB000, s22  }
0x10: {  	s19 =	sadd.s32 $0xC000, s22;
	s20 =	sadd.s32 s0, s23;
	s21 =	sadd.s32 s0, s24  }
.Ltmp0:
0x11: {  	s0 =	sadd.s32 $0x1CCC00, s0;
	[dreg:$0x4] =	wrdreg s20;
	(pc) =	sbr.rel .LBB2_1-.Ltmp0, $4  }
0x12: {  	s23 =	sadd.s32 s2, s23;
	s24 =	sadd.s32 s2, s24;
	[dreg:$0x5] =	wrdreg s21  }
0x13: {  	[dreg:$0x6] =	wrdreg s0;
	s20 =	sshll.u32 s4, $0xA;
	s21 =	sadd.s32 $0xE000, s22  }
0x14: {  	s0 =	simm.s32 $0x3;
	s26 =	sadd.s32 s20, s2;
	s20 =	sadd.s32 $0xD000, s22  }
0x15: {  	v0 =	vimm.f32 $0.0e+00;
	v1 =	vimm.s32 $0x3999;
	s22 =	sadd.s32 $0x1C8000, s26;
	s26 =	smax.u32 s1, $0x1;
	s1 =	simm.s32 $0x1  }
.LBB2_8:
0x16: {  	[tilespmem:$0x18000] =	vst v1;
	s2 =	rddreg [dreg:$0x2];
	s4 =	simm.s32 $0x18000;
	s31 =	simm.s32 $0x4  }
0x17: {  	[hbm4b:s2+s3] =	stream.linear.scatter [tilespmem:s4], [sflag:$0x4], $0x80, $0x38;
	[tilespmem:$0x18080] =	vst v63  }
0x18: {  	_ =	swait.ge [sflag:s31], $0x80  }
0x19: {  	[sflag:s31] =	ssyncset.done $0x0  }
0x1a: {  	[sflag:s31] =	ssyncadd.s32 $0xFFFFFF80  }
.LBB2_9:
0x1b: {  	_ =	swait.ge [sflag:s1], $0x8000  }
0x1c: {  	[sflag:s1] =	ssyncset.done $0x0  }
0x1d: {  	[sflag:s1] =	ssyncadd.s32 $0xFFFF8000  }
0x1e: {  	_ =	swait.ge [sflag:s1], $0x8000  }
0x1f: {  	[sflag:s1] =	ssyncset.done $0x0  }
0x20: {  	[sflag:s1] =	ssyncadd.s32 $0xFFFF8000  }
0x21: {  	_ =	swait.ge [sflag:s1], $0x8000  }
0x22: {  	[sflag:s1] =	ssyncset.done $0x0  }
0x23: {  	[sflag:s1] =	ssyncadd.s32 $0xFFFF8000  }
0x24: {  	_ =	swait.ge [sflag:s1], $0x8000  }
0x25: {  	[sflag:s1] =	ssyncset.done $0x0  }
0x26: {  	[sflag:s1] =	ssyncadd.s32 $0xFFFF8000  }
0x27: {  	_ =	swait.ge [sflag:s1], $0x8000  }
0x28: {  	[sflag:s1] =	ssyncset.done $0x0  }
0x29: {  	[sflag:s1] =	ssyncadd.s32 $0xFFFF8000  }
0x2a: {  	_ =	swait.ge [sflag:s1], $0x8000  }
0x2b: {  	[sflag:s1] =	ssyncset.done $0x0  }
0x2c: {  	[sflag:s1] =	ssyncadd.s32 $0xFFFF8000  }
0x2d: {  	_ =	swait.ge [sflag:s1], $0x8000  }
0x2e: {  	[sflag:s1] =	ssyncset.done $0x0  }
0x2f: {  	[sflag:s1] =	ssyncadd.s32 $0xFFFF8000  }
0x30: {  	_ =	swait.ge [sflag:s1], $0x8000  }
0x31: {  	[sflag:s1] =	ssyncset.done $0x0  }
0x32: {  	[sflag:s1] =	ssyncadd.s32 $0xFFFF8000  }
0x33: {  	_ =	swait.ge [sflag:s1], $0x8000  }
0x34: {  	[sflag:s1] =	ssyncset.done $0x0  }
0x35: {  	[sflag:s1] =	ssyncadd.s32 $0xFFFF8000  }
0x36: {  	_ =	swait.ge [sflag:s1], $0x8000  }
0x37: {  	[sflag:s1] =	ssyncset.done $0x0  }
0x38: {  	[sflag:s1] =	ssyncadd.s32 $0xFFFF8000  }
0x39: {  	_ =	swait.ge [sflag:s1], $0x8000  }
0x3a: {  	[sflag:s1] =	ssyncset.done $0x0  }
0x3b: {  	[sflag:s1] =	ssyncadd.s32 $0xFFFF8000  }
0x3c: {  	_ =	swait.ge [sflag:s1], $0x8000  }
0x3d: {  	[sflag:s1] =	ssyncset.done $0x0  }
0x3e: {  	[sflag:s1] =	ssyncadd.s32 $0xFFFF8000  }
0x3f: {  	_ =	swait.ge [sflag:s1], $0x8000  }
0x40: {  	[sflag:s1] =	ssyncset.done $0x0  }
0x41: {  	[sflag:s1] =	ssyncadd.s32 $0xFFFF8000  }
0x42: {  	_ =	swait.ge [sflag:s1], $0x8000  }
0x43: {  	[sflag:s1] =	ssyncset.done $0x0  }
0x44: {  	s30 =	sadd.s32 $0x1, s30;
	[sflag:s1] =	ssyncadd.s32 $0xFFFF8000  }
0x45: {  	p4 =	sne.s32 s30, s26;
	_ =	swait.ge [sflag:s1], $0x2000  }
.Ltmp1:
0x46: {  	[sflag:s1] =	ssyncset.done $0x0;
	(pc) =	sbr.rel @!p4 .LBB2_10-.Ltmp1, $4  }
0x47: {  	[sflag:s1] =	ssyncadd.s32 $0xFFFFE000  }
0x48: {  	_ =	swait.ge [sflag:s0], $0xC000  }
0x49: {  	[sflag:s0] =	ssyncset.done $0x0  }
0x4a: {  	[sflag:s0] =	ssyncadd.s32 $0xFFFF4000  }
.LBB2_1:
0x4b: {  	s2 =	rddreg [dreg:$0x4];
	s4 =	simm.s32 @!p3 $0x14000  }
0x4c: {  	[tilespmem:s28], [sflag:$0x2] =	stream.linear.gather [hbm4b:s2+s3], $0xC000, $0x38;
	[tilespmem:$0x18080] =	vst v63  }
0x4d: {  	s5 =	rddreg [dreg:$0x5];
	s25 =	simm.s32 $0x0;
	s2 =	simm.s32 @!p3 $0x0  }
0x4e: {  	[tilespmem:s4], [sflag:$0x2] =	stream.linear.gather @!p3 [hbm4b:s5+s2], $0x2000, $0x38;
	[tilespmem:$0x18080] =	vst v63  }
0x4f: {  	s2 =	simm.s32 @!p0 $0x0;
	s4 =	simm.s32 @!p0 $0x16000;
	s5 =	rddreg [dreg:$0x6]  }
0x50: {  	[tilespmem:s4], [sflag:$0x2] =	stream.linear.gather @!p0 [hbm4b:s5+s2], $0x2000, $0x38;
	[tilespmem:$0x18080] =	vst v63  }
0x51: {  	s31 =	simm.s32 $0x0;
	s2 =	simm.s32 $0xFFFF8000;
	s4 =	simm.s32 $0x0  }
.LBB2_2:
0x52: {  	s5 =	sadd.s32 $0x8000, s2  }
0x53: {  	s6 =	sand.u32 $0x380, s4;
	s5 =	sand.u32 $0x6000, s5  }
0x54: {  	s5 =	sor.u32 s6, s5  }
0x55: {  	[tilespmem:s5+$0x0] =	vst v0  }
0x56: {  	[tilespmem:s5+$0x10] =	vst v0  }
0x57: {  	[tilespmem:s5+$0x20] =	vst v0  }
0x58: {  	[tilespmem:s5+$0x30] =	vst v0  }
0x59: {  	[tilespmem:s5+$0x40] =	vst v0  }
0x5a: {  	[tilespmem:s5+$0x50] =	vst v0  }
0x5b: {  	[tilespmem:s5+$0x60] =	vst v0  }
0x5c: {  	[tilespmem:s5+$0x70] =	vst v0  }
0x5d: {  	[tilespmem:s5+$0x400] =	vst v0  }
0x5e: {  	[tilespmem:s5+$0x410] =	vst v0  }
0x5f: {  	[tilespmem:s5+$0x420] =	vst v0  }
0x60: {  	[tilespmem:s5+$0x430] =	vst v0  }
0x61: {  	[tilespmem:s5+$0x440] =	vst v0  }
0x62: {  	[tilespmem:s5+$0x450] =	vst v0  }
0x63: {  	[tilespmem:s5+$0x460] =	vst v0  }
0x64: {  	[tilespmem:s5+$0x470] =	vst v0  }
0x65: {  	[tilespmem:s5+$0x800] =	vst v0  }
0x66: {  	[tilespmem:s5+$0x810] =	vst v0  }
0x67: {  	[tilespmem:s5+$0x820] =	vst v0  }
0x68: {  	[tilespmem:s5+$0x830] =	vst v0  }
0x69: {  	[tilespmem:s5+$0x840] =	vst v0  }
0x6a: {  	[tilespmem:s5+$0x850] =	vst v0  }
0x6b: {  	[tilespmem:s5+$0x860] =	vst v0  }
0x6c: {  	[tilespmem:s5+$0x870] =	vst v0  }
0x6d: {  	[tilespmem:s5+$0xC00] =	vst v0  }
0x6e: {  	[tilespmem:s5+$0xC10] =	vst v0  }
0x6f: {  	[tilespmem:s5+$0xC20] =	vst v0  }
0x70: {  	[tilespmem:s5+$0xC30] =	vst v0  }
0x71: {  	[tilespmem:s5+$0xC40] =	vst v0  }
0x72: {  	[tilespmem:s5+$0xC50] =	vst v0  }
0x73: {  	[tilespmem:s5+$0xC60] =	vst v0  }
0x74: {  	[tilespmem:s5+$0xC70] =	vst v0  }
0x75: {  	[tilespmem:s5+$0x1000] =	vst v0  }
0x76: {  	[tilespmem:s5+$0x1010] =	vst v0  }
0x77: {  	[tilespmem:s5+$0x1020] =	vst v0  }
0x78: {  	[tilespmem:s5+$0x1030] =	vst v0  }
0x79: {  	[tilespmem:s5+$0x1040] =	vst v0  }
0x7a: {  	[tilespmem:s5+$0x1050] =	vst v0  }
0x7b: {  	[tilespmem:s5+$0x1060] =	vst v0  }
0x7c: {  	[tilespmem:s5+$0x1070] =	vst v0  }
0x7d: {  	[tilespmem:s5+$0x1400] =	vst v0  }
0x7e: {  	[tilespmem:s5+$0x1410] =	vst v0  }
0x7f: {  	[tilespmem:s5+$0x1420] =	vst v0  }
0x80: {  	[tilespmem:s5+$0x1430] =	vst v0  }
0x81: {  	[tilespmem:s5+$0x1440] =	vst v0  }
0x82: {  	[tilespmem:s5+$0x1450] =	vst v0  }
0x83: {  	[tilespmem:s5+$0x1460] =	vst v0  }
0x84: {  	[tilespmem:s5+$0x1470] =	vst v0  }
0x85: {  	[tilespmem:s5+$0x1800] =	vst v0  }
0x86: {  	[tilespmem:s5+$0x1810] =	vst v0  }
0x87: {  	[tilespmem:s5+$0x1820] =	vst v0  }
0x88: {  	[tilespmem:s5+$0x1830] =	vst v0  }
0x89: {  	s6 =	sand.u32 $0x7, s25;
	[tilespmem:s5+$0x1840] =	vst v0  }
0x8a: {  	s6 =	sshll.u32 s6, $0x7;
	[tilespmem:s5+$0x1850] =	vst v0  }
0x8b: {  	[tilespmem:s5+$0x1860] =	vst v0;
	s6 =	sadd.s32 s6, s31  }
0x8c: {  	[tilespmem:s5+$0x1870] =	vst v0;
	s5 =	sor.u32 $0x1C00, s6  }
0x8d: {  	[tilespmem:s5+$0x0] =	vst v0;
	s5 =	sor.u32 $0x1C10, s6  }
0x8e: {  	[tilespmem:s5+$0x0] =	vst v0;
	s5 =	sor.u32 $0x1C20, s6  }
0x8f: {  	p4 =	sne.s32 s4, $0xF80;
	[tilespmem:s5+$0x0] =	vst v0;
	s5 =	sor.u32 $0x1C30, s6  }
.Ltmp2:
0x90: {  	[tilespmem:s5+$0x0] =	vst v0;
	s5 =	sor.u32 $0x1C40, s6;
	(pc) =	sbr.rel @p4 .LBB2_2-.Ltmp2, $4  }
0x91: {  	[tilespmem:s5+$0x0] =	vst v0;
	s5 =	sor.u32 $0x1C50, s6  }
0x92: {  	[tilespmem:s5+$0x0] =	vst v0;
	s5 =	sor.u32 $0x1C60, s6  }
0x93: {  	s2 =	sadd.s32 $0x400, s2;
	s6 =	sor.u32 $0x1C70, s6;
	[tilespmem:s5+$0x0] =	vst v0  }
0x94: {  	s4 =	sadd.s32 $0x80, s4;
	s25 =	sadd.s32 $0x1, s25;
	s31 =	sadd.s32 $0x400, s31;
	[tilespmem:s6+$0x0] =	vst v0  }
0x95: {  	[hbm4b:s7+s3] =	stream.linear.scatter [tilespmem:s3], [sflag:$0x1], $0x8000, $0x38;
	[tilespmem:$0x18080] =	vst v63  }
0x96: {  	_ = 	snop  }
0x97: {  	[hbm4b:s8+s3] =	stream.linear.scatter [tilespmem:s3], [sflag:$0x1], $0x8000, $0x38;
	[tilespmem:$0x18080] =	vst v63  }
0x98: {  	_ = 	snop  }
0x99: {  	[hbm4b:s9+s3] =	stream.linear.scatter [tilespmem:s3], [sflag:$0x1], $0x8000, $0x38;
	[tilespmem:$0x18080] =	vst v63  }
0x9a: {  	_ = 	snop  }
0x9b: {  	[hbm4b:s10+s3] =	stream.linear.scatter [tilespmem:s3], [sflag:$0x1], $0x8000, $0x38;
	[tilespmem:$0x18080] =	vst v63  }
0x9c: {  	_ = 	snop  }
0x9d: {  	[hbm4b:s11+s3] =	stream.linear.scatter [tilespmem:s3], [sflag:$0x1], $0x8000, $0x38;
	[tilespmem:$0x18080] =	vst v63  }
0x9e: {  	_ = 	snop  }
0x9f: {  	[hbm4b:s12+s3] =	stream.linear.scatter [tilespmem:s3], [sflag:$0x1], $0x8000, $0x38;
	[tilespmem:$0x18080] =	vst v63  }
0xa0: {  	_ = 	snop  }
0xa1: {  	[hbm4b:s13+s3] =	stream.linear.scatter [tilespmem:s3], [sflag:$0x1], $0x8000, $0x38;
	[tilespmem:$0x18080] =	vst v63  }
0xa2: {  	_ = 	snop  }
0xa3: {  	[hbm4b:s14+s3] =	stream.linear.scatter [tilespmem:s3], [sflag:$0x1], $0x8000, $0x38;
	[tilespmem:$0x18080] =	vst v63  }
0xa4: {  	_ = 	snop  }
0xa5: {  	[hbm4b:s15+s3] =	stream.linear.scatter [tilespmem:s3], [sflag:$0x1], $0x8000, $0x38;
	[tilespmem:$0x18080] =	vst v63  }
0xa6: {  	_ = 	snop  }
0xa7: {  	[hbm4b:s16+s3] =	stream.linear.scatter [tilespmem:s3], [sflag:$0x1], $0x8000, $0x38;
	[tilespmem:$0x18080] =	vst v63  }
0xa8: {  	_ = 	snop  }
0xa9: {  	[hbm4b:s17+s3] =	stream.linear.scatter [tilespmem:s3], [sflag:$0x1], $0x8000, $0x38;
	[tilespmem:$0x18080] =	vst v63  }
0xaa: {  	_ = 	snop  }
0xab: {  	[hbm4b:s18+s3] =	stream.linear.scatter [tilespmem:s3], [sflag:$0x1], $0x8000, $0x38;
	[tilespmem:$0x18080] =	vst v63  }
0xac: {  	_ = 	snop  }
0xad: {  	[hbm4b:s19+s3] =	stream.linear.scatter [tilespmem:s3], [sflag:$0x1], $0x8000, $0x38;
	[tilespmem:$0x18080] =	vst v63  }
0xae: {  	_ = 	snop  }
0xaf: {  	[hbm4b:s20+s3] =	stream.linear.scatter [tilespmem:s3], [sflag:$0x1], $0x8000, $0x38;
	[tilespmem:$0x18080] =	vst v63  }
0xb0: {  	_ = 	snop  }
0xb1: {  	[hbm4b:s21+s3] =	stream.linear.scatter [tilespmem:s3], [sflag:$0x1], $0x2000, $0x38;
	[tilespmem:$0x18080] =	vst v63  }
0xb2: {  	s2 =	simm.s32 @!p1 $0x0  }
0xb3: {  	[hbm4b:s22+s2] =	stream.linear.scatter @!p1 [tilespmem:s2], [sflag:$0x1], $0x2000, $0x38;
	[tilespmem:$0x18080] =	vst v63  }
0xb4: {  	s2 =	simm.s32 @!p1 $0x1  }
0xb5: {  	_ =	swait.ge @!p1 [sflag:s2], $0x2000  }
0xb6: {  	[sflag:s2] =	ssyncset.done @!p1 $0x0  }
0xb7: {  	[sflag:s2] =	ssyncadd.s32 @!p1 $0xFFFFE000  }
0xb8: {  	_ =	swait.ge [sflag:s29], $0xC000  }
0xb9: {  	[sflag:s29] =	ssyncset.done $0x0  }
0xba: {  	s2 =	simm.s32 @!p3 $0x2;
	[sflag:s29] =	ssyncadd.s32 $0xFFFF4000  }
0xbb: {  	[hbm4b:s23+s3] =	stream.linear.scatter [tilespmem:s28], [sflag:$0x3], $0xC000, $0x38;
	[tilespmem:$0x18080] =	vst v63  }
0xbc: {  	_ =	swait.ge @!p3 [sflag:s2], $0x2000  }
0xbd: {  	[sflag:s2] =	ssyncset.done @!p3 $0x0  }
0xbe: {  	s4 =	simm.s32 @!p3 $0x14000;
	[sflag:s2] =	ssyncadd.s32 @!p3 $0xFFFFE000;
	s2 =	simm.s32 @!p3 $0x0  }
0xbf: {  	[hbm4b:s24+s2] =	stream.linear.scatter @!p3 [tilespmem:s4], [sflag:$0x3], $0x2000, $0x38;
	[tilespmem:$0x18080] =	vst v63  }
.Ltmp3:
0xc0: {  	_ = 	snop;
	(pc) =	sbr.rel @p2 .LBB2_8-.Ltmp3, $4  }
0xc1: {  	s2 =	simm.s32 @!p3 $0x3  }
0xc2: {  	_ =	swait.ge @!p3 [sflag:s2], $0x2000  }
0xc3: {  	[sflag:s2] =	ssyncset.done @!p3 $0x0  }
0xc4: {  	[sflag:s2] =	ssyncadd.s32 @!p3 $0xFFFFE000  }
.Ltmp4:
0xc5: {  	(pc) =	sbr.rel @p0 .LBB2_9-.Ltmp4, $1  }
0xc6: {  	_ =	sdelay $0x3  }
0xc7: {  	_ =	swait.ge [sflag:s29], $0x2000;
	s2 =	simm.s32 $0x0  }
0xc8: {  	[sflag:s29] =	ssyncset.done $0x0;
	s4 =	sand.u32 $0x70, s2;
	s5 =	sand.u32 $0x1C00, s2  }
0xc9: {  	[sflag:s29] =	ssyncadd.s32 $0xFFFFE000;
	s5 =	sor.u32 s4, s5  }
0xca: {  	s4 =	simm.s32 $0x10;
	[tilespmem:s5+$0x16000] =	vst v0  }
.LBB2_6:
0xcb: {  	p4 =	sne.s32 s4, $0x3F0  }
.Ltmp5:
0xcc: {  	_ = 	snop;
	(pc) =	sbr.rel @p4 .LBB2_6-.Ltmp5, $4  }
0xcd: {  	s2 =	sadd.s32 $0x80, s2  }
0xce: {  	s5 =	sand.u32 $0x70, s4;
	s6 =	sand.u32 $0x1C00, s2  }
0xcf: {  	s5 =	sor.u32 s5, s6  }
0xd0: {  	s4 =	sadd.s32 $0x10, s4;
	[tilespmem:s5+$0x16000] =	vst v0  }
.Ltmp6:
0xd1: {  	s2 =	rddreg [dreg:$0x7];
	s4 =	simm.s32 $0x16000;
	(pc) =	sbr.rel .LBB2_9-.Ltmp6, $4  }
0xd2: {  	[hbm4b:s2+s3] =	stream.linear.scatter [tilespmem:s4], [sflag:$0x3], $0x2000, $0x38;
	[tilespmem:$0x18080] =	vst v63  }
0xd3: {  	_ =	swait.ge [sflag:s0], $0x2000  }
0xd4: {  	[sflag:s0] =	ssyncset.done $0x0  }
0xd5: {  	[sflag:s0] =	ssyncadd.s32 $0xFFFFE000  }
.LBB2_10:
0xd6: {  	_ =	sfence.sel $0x180000  }
0xd7: {  	[bflag:$0x0] =	sbarrier.arrive $0xFFFF  }
0xd8: {  	_ =	strace $0x90000047  }
0xd9: {  	s0 =	stileid.u32;
	[bflag:$0x2] =	sbarrier.arrive $0xFFFF  }
0xda: {  	p0 =	sne.s32 s0, $0x0;
	s0 =	rddreg [dreg:$0x3]  }
0xdb: {  	s0 =	sadd.s32 @!p0 $0x100000, s0  }
0xdc: {  	[sflag:s0] =	ssyncadd.tile.s32 @!p0 $0x1;
	_ =	shalt  }
.Lfunc_end2:
_tile_overlayer_lowered:
.L_overlay_start_2:
0xdd: {  	(tag) =	ssettag $0x2  }
0xde: {  	s0 =	rddreg [dreg:$0x0];
	s2 =	stileid.u32  }
0xdf: {  	s1 =	rddreg [dreg:$0x1];
	p0 =	sne.s32 s2, $0x0  }
0xe0: {  	s3 =	rddreg [dreg:$0x2];
	[bflag:$0x3] =	sbarrier.arrive $0xFFFF;
	s2 =	simm.s32 @!p0 $0x1C04  }
0xe1: {  	[timem:s3], [sflag:s2] =	dma.local @!p0 [hbm:s0], s1  }
0xe2: {  	s0 =	simm.s32 @!p0 $0x4  }
0xe3: {  	_ =	swait.ge @!p0 [sflag:s0], s1  }
0xe4: {  	s1 =	ssub.s32 @!p0 $0x0, s1;
	[sflag:s0] =	ssyncset.done @!p0 $0x0  }
0xe5: {  	[sflag:s0] =	ssyncadd.s32 @!p0 s1  }
0xe6: {  	[bflag:$0x3] =	sbarrier.arrive $0xFFFF  }
0xe7: {  	_ =	shalt  }

</sc_bundles>
